<compile_context>
chip_gen: v7x
topology: tpu7x:2x2x1
jax: 0.10.2.dev20260603
libtpu: 0.0.44.dev20260713+nightly
codegen_flags: <defaults>
</compile_context>

<pallas_src>
import functools

import jax
import jax.numpy as jnp
from jax import lax
from jax.experimental import pallas as pl
from jax.experimental.pallas import tpu as pltpu
from jax.experimental.pallas import tpu_sc as plsc

SEQ = 10
LOC = 20
ED = 128
HALF = 64
BATCH = 16384

ROWS = BATCH * SEQ
NC, NS = 2, 16
NW = NC * NS
RPW = ROWS // NW
CHUNK = 128
NCH = RPW // CHUNK


def _table_body(tok_ref, wt_ref, b_ref, pos_ref, o_ref):
    t = lax.dot_general(tok_ref[:], wt_ref[:], (((1,), (1,)), ((), ())),
                        preferred_element_type=jnp.float32)
    zeros = jnp.zeros((LOC, HALF), jnp.float32)
    tl = jnp.concatenate([t, zeros], axis=1)
    tr = jnp.concatenate([zeros, t], axis=1)
    p_iota = lax.broadcasted_iota(jnp.int32, (LOC * LOC, LOC), 0)
    k_iota = lax.broadcasted_iota(jnp.int32, (LOC * LOC, LOC), 1)
    onehot = (p_iota // LOC == k_iota).astype(jnp.float32)
    s400 = lax.dot_general(onehot, tl, (((1,), (0,)), ((), ())),
                           preferred_element_type=jnp.float32)
    s400 = s400 + jnp.concatenate([tr] * LOC, axis=0)
    posb = pos_ref[:] + jnp.concatenate([b_ref[:], b_ref[:]], axis=1)
    o_ref[:] = s400[None, :, :] + posb[:, None, :]


def _build_table(tok_table, W, b, pos_table):
    return pl.pallas_call(
        _table_body,
        out_shape=jax.ShapeDtypeStruct((SEQ, LOC * LOC, ED), jnp.float32),
    )(tok_table, jnp.transpose(W), b.reshape(1, HALF), pos_table)


def _gather_body(g_hbm, q_hbm, out_hbm, gshared, qbuf, cidx, buf0, buf1,
                 buf2, buf3, buf4,
                 gsem0, gsem1, gsem2, gsem3, gsem4,
                 ssem0, ssem1, ssem2, ssem3, ssem4,
                 stagesem):
    sid = lax.axis_index("s")
    wid = sid * NC + lax.axis_index("c")
    rowbase = wid * RPW

    @pl.when(sid == 0)
    def _():
        pltpu.make_async_copy(g_hbm, gshared, stagesem).start()

    pltpu.sync_copy(q_hbm.at[pl.ds(rowbase * 2, RPW * 2)], qbuf)

    def idx_body(g, carry):
        base = (g // 8) * 256 + (g % 8) * 16
        i0 = qbuf[pl.ds(base, 16)]
        i1 = qbuf[pl.ds(base + 128, 16)]
        s = (rowbase + g * 16) // BATCH
        c = s * (LOC * LOC) + i0 * LOC + i1
        cidx[g // 8, pl.ds((g % 8) * 16, 16)] = c
        return carry

    def compute_cidx(t):
        lax.fori_loop(t * 8, t * 8 + 8, idx_body, 0)

    compute_cidx(0)
    compute_cidx(1)

    @pl.when(sid == 0)
    def _():
        pltpu.make_async_copy(g_hbm, gshared, stagesem).wait()

    plsc.subcore_barrier()

    def start_gather(t, buf, sem):
        pltpu.make_async_copy(gshared.at[cidx.at[t]], buf, sem).start()

    def wait_gather(buf, sem):
        pltpu.make_async_copy(gshared.at[cidx.at[0]], buf, sem).wait()

    def start_scatter(t, buf, sem):
        pltpu.make_async_copy(
            buf, out_hbm.at[pl.ds(rowbase + t * CHUNK, CHUNK)], sem).start()

    def wait_scatter(buf, sem):
        pltpu.make_async_copy(
            buf, out_hbm.at[pl.ds(rowbase, CHUNK)], sem).wait()

    bufs = [(buf0, gsem0, ssem0), (buf1, gsem1, ssem1),
            (buf2, gsem2, ssem2), (buf3, gsem3, ssem3),
            (buf4, gsem4, ssem4)]

    compute_cidx(2)
    start_gather(0, buf0, gsem0)
    start_gather(1, buf1, gsem1)
    start_gather(2, buf2, gsem2)

    def pipe_body(t5, carry):
        for j in range(5):
            t = t5 * 5 + j
            buf, gsem, ssem = bufs[j]
            nbuf, ngsem, nssem = bufs[(j + 3) % 5]

            @pl.when(t < NCH - 3)
            def _():
                compute_cidx(t + 3)

            wait_gather(buf, gsem)
            start_scatter(t, buf, ssem)

            @pl.when(t < NCH - 3)
            def _():
                @pl.when(t >= 2)
                def _():
                    wait_scatter(nbuf, nssem)

                start_gather(t + 3, nbuf, ngsem)

        return carry

    lax.fori_loop(0, NCH // 5, pipe_body, 0)
    for j in range(5):
        buf, _, ssem = bufs[j]
        wait_scatter(buf, ssem)


def _gather_rows(g_flat, q_flat):
    mesh = plsc.VectorSubcoreMesh(core_axis_name="c", subcore_axis_name="s")
    f = functools.partial(
        pl.kernel,
        mesh=mesh,
        out_type=jax.ShapeDtypeStruct((ROWS, ED), jnp.float32),
        scratch_types=[
            pltpu.VMEM_SHARED((SEQ * LOC * LOC, ED), jnp.float32),
            pltpu.VMEM((2 * RPW,), jnp.int32),
            pltpu.VMEM((NCH, CHUNK), jnp.int32),
            pltpu.VMEM((CHUNK, ED), jnp.float32),
            pltpu.VMEM((CHUNK, ED), jnp.float32),
            pltpu.VMEM((CHUNK, ED), jnp.float32),
            pltpu.VMEM((CHUNK, ED), jnp.float32),
            pltpu.VMEM((CHUNK, ED), jnp.float32),
        ] + [pltpu.SemaphoreType.DMA] * 11,
    )(_gather_body)
    return f(g_flat, q_flat)


def kernel(inputs, tok_table, W, b, pos_table):
    g = _build_table(tok_table, W, b, pos_table).reshape(SEQ * LOC * LOC, ED)
    q = jnp.transpose(
        inputs.astype(jnp.int32).reshape(BATCH // 128, 128, SEQ, 2),
        (2, 0, 3, 1),
    ).reshape(-1)
    out = _gather_rows(g, q)
    return jnp.transpose(out.reshape(SEQ, BATCH, ED), (1, 0, 2))

# --- scband reference (transcript-rebuilt; emitter-appended) ---
"""Pipeline reference for scband-positional-embedding-loc-42743514529835 (READ-ONLY COPY).

The authoritative reference and input builder live on the scoring server;
editing this copy changes nothing except your own understanding.
"""

import jax, jax.numpy as jnp
import numpy as np

SEQ_LEN = 10
LOC_DIMEN = 20
EMBED_DIM = 128
BATCH = 16384

def setup_inputs(seed: int = 0) -> dict:
    key = jax.random.key(seed)
    k1, k2, k3, k4, k5 = jax.random.split(key, 5)
    inputs = jax.random.randint(k1, (BATCH, SEQ_LEN, 2), 0, LOC_DIMEN, dtype=jnp.int64 if jax.config.jax_enable_x64 else jnp.int32)
    tok_table = jax.random.normal(k2, (LOC_DIMEN, EMBED_DIM), dtype=jnp.float32) * 0.05
    W = jax.random.normal(k3, (EMBED_DIM, EMBED_DIM // 2), dtype=jnp.float32) * 0.05
    b = jnp.zeros((EMBED_DIM // 2,), dtype=jnp.float32)
    pos_table = jax.random.normal(k4, (SEQ_LEN, EMBED_DIM), dtype=jnp.float32) * 0.05
    return {"inputs": inputs, "tok_table": tok_table, "W": W, "b": b, "pos_table": pos_table}

def reference(inputs, tok_table, W, b, pos_table):
    # token path: embedding gather -> dense -> reshape
    emb = jnp.take(tok_table, inputs, axis=0)               # [B, 10, 2, 128]
    h = jnp.dot(emb, W) + b                                  # [B, 10, 2, 64]
    embedded_tokens = h.reshape(inputs.shape[0], SEQ_LEN, EMBED_DIM)  # [B, 10, 128]
    # position path
    positions = jnp.arange(SEQ_LEN)
    embedded_positions = jnp.take(pos_table, positions, axis=0)       # [10, 128]
    return embedded_tokens + embedded_positions

if __name__ == "__main__":
    import jax
    _d = setup_inputs()
    print(jax.jit(kernel)(*tuple(_d.values())))

</pallas_src>

<mosaic_0001>
#map = affine_map<(d0, d1) -> (0, 0)>
#map1 = affine_map<(d0, d1) -> (0)>
module attributes {stable_mosaic.version = 14 : i64} {
  func.func @_gather_body(%arg0: i32, %arg1: i32, %arg2: memref<4000x128xf32, #tpu.memory_space<hbm>>, %arg3: memref<327680xi32, #tpu.memory_space<hbm>>, %arg4: memref<163840x128xf32, #tpu.memory_space<hbm>>, %arg5: memref<4000x128xf32, #tpu.memory_space<vmem_shared>>, %arg6: memref<10240xi32, #tpu.memory_space<vmem>>, %arg7: memref<40x128xi32, #tpu.memory_space<vmem>>, %arg8: memref<128x128xf32, #tpu.memory_space<vmem>>, %arg9: memref<128x128xf32, #tpu.memory_space<vmem>>, %arg10: memref<128x128xf32, #tpu.memory_space<vmem>>, %arg11: memref<128x128xf32, #tpu.memory_space<vmem>>, %arg12: memref<128x128xf32, #tpu.memory_space<vmem>>, %arg13: memref<!tpu.dma_semaphore, #tpu.memory_space<semaphore_mem>>, %arg14: memref<!tpu.dma_semaphore, #tpu.memory_space<semaphore_mem>>, %arg15: memref<!tpu.dma_semaphore, #tpu.memory_space<semaphore_mem>>, %arg16: memref<!tpu.dma_semaphore, #tpu.memory_space<semaphore_mem>>, %arg17: memref<!tpu.dma_semaphore, #tpu.memory_space<semaphore_mem>>, %arg18: memref<!tpu.dma_semaphore, #tpu.memory_space<semaphore_mem>>, %arg19: memref<!tpu.dma_semaphore, #tpu.memory_space<semaphore_mem>>, %arg20: memref<!tpu.dma_semaphore, #tpu.memory_space<semaphore_mem>>, %arg21: memref<!tpu.dma_semaphore, #tpu.memory_space<semaphore_mem>>, %arg22: memref<!tpu.dma_semaphore, #tpu.memory_space<semaphore_mem>>, %arg23: memref<!tpu.dma_semaphore, #tpu.memory_space<semaphore_mem>>) attributes {dimension_semantics = [#tpu.dimension_semantics<core_parallel>, #tpu.dimension_semantics<subcore_parallel>], iteration_bounds = array<i64: 2, 16>, scalar_prefetch = 0 : i64, scratch_operands = 19 : i64, tpu.core_type = #tpu.core_type<sc_vector_subcore>, window_params = [{transform_indices = #map}, {transform_indices = #map1}, {transform_indices = #map}]} {
    %mul3A = arith.constant 2 : i32
    %mul3A_0 = arith.muli %arg1, %mul3A : i32
    %add3A = arith.addi %mul3A_0, %arg0 : i32
    %mul3A_1 = arith.constant 5120 : i32
    %mul3A_2 = arith.muli %add3A, %mul3A_1 : i32
    %eq3A = arith.constant 0 : i32
    %eq3A_3 = arith.cmpi eq, %arg1, %eq3A : i32
    %convert_element_type3A = arith.extui %eq3A_3 : i1 to i32
    %cond3A = arith.constant 0 : i32
    %cond3A_4 = arith.cmpi ne, %convert_element_type3A, %cond3A : i32
    scf.if %cond3A_4 {
      tpu.enqueue_dma source(%arg2 : memref<4000x128xf32, #tpu.memory_space<hbm>>) target(%arg5 : memref<4000x128xf32, #tpu.memory_space<vmem_shared>>) target_semaphore(%arg23 : memref<!tpu.dma_semaphore, #tpu.memory_space<semaphore_mem>>)
    } else {
    }
    %mul3A_5 = arith.constant 2 : i32
    %mul3A_6 = arith.muli %mul3A_2, %mul3A_5 : i32
    "tpu.region"() ({
      %run_scoped3A = tpu.sem_alloc : memref<!tpu.dma_semaphore, #tpu.memory_space<semaphore_mem>>
      %dma_start3A_74 = tpu.memref_slice %arg3[%mul3A_6] : memref<327680xi32, #tpu.memory_space<hbm>> -> memref<10240xi32, #tpu.memory_space<hbm>>
      %dma_start3A_75 = tpu.memref_slice %arg3[%mul3A_6] : memref<327680xi32, #tpu.memory_space<hbm>> -> memref<10240xi32, #tpu.memory_space<hbm>>
      tpu.enqueue_dma source(%dma_start3A_75 : memref<10240xi32, #tpu.memory_space<hbm>>) target(%arg6 : memref<10240xi32, #tpu.memory_space<vmem>>) target_semaphore(%run_scoped3A : memref<!tpu.dma_semaphore, #tpu.memory_space<semaphore_mem>>)
      %dma_wait3A_76 = tpu.memref_slice %arg3[%mul3A_6] : memref<327680xi32, #tpu.memory_space<hbm>> -> memref<10240xi32, #tpu.memory_space<hbm>>
      %dma_wait3A_77 = tpu.memref_slice %arg3[%mul3A_6] : memref<327680xi32, #tpu.memory_space<hbm>> -> memref<10240xi32, #tpu.memory_space<hbm>>
      tpu.wait_dma2 semaphore(%run_scoped3A : memref<!tpu.dma_semaphore, #tpu.memory_space<semaphore_mem>>) src(%dma_wait3A_77 : memref<10240xi32, #tpu.memory_space<hbm>>) dst(%arg6 : memref<10240xi32, #tpu.memory_space<vmem>>)
      tpu.yield
    }) : () -> ()
    %scan3A = arith.constant 0 : i32
    %scan3A_7 = arith.constant 0 : i32
    %scan3A_8 = arith.constant 8 : i32
    %scan3A_9 = arith.addi %scan3A_7, %scan3A_8 : i32
    %scan3A_10 = arith.constant 1 : i32
    scf.for %scan3A_74 = %scan3A_7 to %scan3A_9 step %scan3A_10  : i32 {
      %jit3A = arith.constant 8 : i32
      %div3A = arith.divsi %scan3A_74, %jit3A : i32
      %sign3A = arith.constant 0 : i32
      %sign3A_75 = arith.cmpi sgt, %scan3A_74, %sign3A : i32
      %sign3A_76 = arith.extui %sign3A_75 : i1 to i32
      %sign3A_77 = arith.constant 0 : i32
      %sign3A_78 = arith.cmpi slt, %scan3A_74, %sign3A_77 : i32
      %sign3A_79 = arith.extui %sign3A_78 : i1 to i32
      %sign3A_80 = arith.subi %sign3A_76, %sign3A_79 : i32
      %sign3A_81 = arith.constant 0 : i32
      %sign3A_82 = arith.cmpi sgt, %jit3A, %sign3A_81 : i32
      %sign3A_83 = arith.extui %sign3A_82 : i1 to i32
      %sign3A_84 = arith.constant 0 : i32
      %sign3A_85 = arith.cmpi slt, %jit3A, %sign3A_84 : i32
      %sign3A_86 = arith.extui %sign3A_85 : i1 to i32
      %sign3A_87 = arith.subi %sign3A_83, %sign3A_86 : i32
      %ne3A = arith.cmpi ne, %sign3A_80, %sign3A_87 : i32
      %rem3A = arith.remsi %scan3A_74, %jit3A : i32
      %ne3A_88 = arith.constant 0 : i32
      %ne3A_89 = arith.cmpi ne, %rem3A, %ne3A_88 : i32
      %and3A = arith.andi %ne3A, %ne3A_89 : i1
      %sub3A = arith.constant 1 : i32
      %sub3A_90 = arith.subi %div3A, %sub3A : i32
      %select_n3A = arith.select %and3A, %sub3A_90, %div3A : i32
      %mul3A_91 = arith.constant 256 : i32
      %mul3A_92 = arith.muli %select_n3A, %mul3A_91 : i32
      %jit3A_93 = arith.constant 8 : i32
      %eq3A_94 = arith.constant 0 : i32
      %eq3A_95 = arith.cmpi eq, %jit3A_93, %eq3A_94 : i32
      %jit3A_96 = arith.constant 1 : i32
      %select_n3A_97 = arith.select %eq3A_95, %jit3A_96, %jit3A_93 : i32
      %rem3A_98 = arith.remsi %scan3A_74, %select_n3A_97 : i32
      %ne3A_99 = arith.constant 0 : i32
      %ne3A_100 = arith.cmpi ne, %rem3A_98, %ne3A_99 : i32
      %lt3A = arith.constant 0 : i32
      %lt3A_101 = arith.cmpi slt, %rem3A_98, %lt3A : i32
      %lt3A_102 = arith.constant 0 : i32
      %lt3A_103 = arith.cmpi slt, %select_n3A_97, %lt3A_102 : i32
      %ne3A_104 = arith.xori %lt3A_101, %lt3A_103 : i1
      %and3A_105 = arith.andi %ne3A_104, %ne3A_100 : i1
      %add3A_106 = arith.addi %rem3A_98, %select_n3A_97 : i32
      %select_n3A_107 = arith.select %and3A_105, %add3A_106, %rem3A_98 : i32
      %mul3A_108 = arith.constant 16 : i32
      %mul3A_109 = arith.muli %select_n3A_107, %mul3A_108 : i32
      %add3A_110 = arith.addi %mul3A_92, %mul3A_109 : i32
      %get3A = arith.index_cast %add3A_110 : i32 to index
      %get3A_111 = tpu.vector_load %arg6[%get3A] {strides = array<i32>} : memref<10240xi32, #tpu.memory_space<vmem>>, vector<16xi32>,
      %get3A_112 = vector.shape_cast %get3A_111 : vector<16xi32> to vector<16xi32>
      %add3A_113 = arith.constant 128 : i32
      %add3A_114 = arith.addi %add3A_110, %add3A_113 : i32
      %get3A_115 = arith.index_cast %add3A_114 : i32 to index
      %get3A_116 = tpu.vector_load %arg6[%get3A_115] {strides = array<i32>} : memref<10240xi32, #tpu.memory_space<vmem>>, vector<16xi32>,
      %get3A_117 = vector.shape_cast %get3A_116 : vector<16xi32> to vector<16xi32>
      %mul3A_118 = arith.constant 16 : i32
      %mul3A_119 = arith.muli %scan3A_74, %mul3A_118 : i32
      %add3A_120 = arith.addi %mul3A_2, %mul3A_119 : i32
      %jit3A_121 = arith.constant 16384 : i32
      %div3A_122 = arith.divsi %add3A_120, %jit3A_121 : i32
      %sign3A_123 = arith.constant 0 : i32
      %sign3A_124 = arith.cmpi sgt, %add3A_120, %sign3A_123 : i32
      %sign3A_125 = arith.extui %sign3A_124 : i1 to i32
      %sign3A_126 = arith.constant 0 : i32
      %sign3A_127 = arith.cmpi slt, %add3A_120, %sign3A_126 : i32
      %sign3A_128 = arith.extui %sign3A_127 : i1 to i32
      %sign3A_129 = arith.subi %sign3A_125, %sign3A_128 : i32
      %sign3A_130 = arith.constant 0 : i32
      %sign3A_131 = arith.cmpi sgt, %jit3A_121, %sign3A_130 : i32
      %sign3A_132 = arith.extui %sign3A_131 : i1 to i32
      %sign3A_133 = arith.constant 0 : i32
      %sign3A_134 = arith.cmpi slt, %jit3A_121, %sign3A_133 : i32
      %sign3A_135 = arith.extui %sign3A_134 : i1 to i32
      %sign3A_136 = arith.subi %sign3A_132, %sign3A_135 : i32
      %ne3A_137 = arith.cmpi ne, %sign3A_129, %sign3A_136 : i32
      %rem3A_138 = arith.remsi %add3A_120, %jit3A_121 : i32
      %ne3A_139 = arith.constant 0 : i32
      %ne3A_140 = arith.cmpi ne, %rem3A_138, %ne3A_139 : i32
      %and3A_141 = arith.andi %ne3A_137, %ne3A_140 : i1
      %sub3A_142 = arith.constant 1 : i32
      %sub3A_143 = arith.subi %div3A_122, %sub3A_142 : i32
      %select_n3A_144 = arith.select %and3A_141, %sub3A_143, %div3A_122 : i32
      %mul3A_145 = arith.constant 400 : i32
      %mul3A_146 = arith.muli %select_n3A_144, %mul3A_145 : i32
      %mul3A_147 = arith.constant 20 : i32
      %mul3A_148 = vector.broadcast %mul3A_147 : i32 to vector<16xi32>
      %mul3A_149 = arith.muli %get3A_112, %mul3A_148 : vector<16xi32>
      %add3A_150 = vector.broadcast %mul3A_146 : i32 to vector<16xi32>
      %add3A_151 = arith.addi %add3A_150, %mul3A_149 : vector<16xi32>
      %add3A_152 = arith.addi %add3A_151, %get3A_117 : vector<16xi32>
      %jit3A_153 = arith.constant 8 : i32
      %div3A_154 = arith.divsi %scan3A_74, %jit3A_153 : i32
      %sign3A_155 = arith.constant 0 : i32
      %sign3A_156 = arith.cmpi sgt, %scan3A_74, %sign3A_155 : i32
      %sign3A_157 = arith.extui %sign3A_156 : i1 to i32
      %sign3A_158 = arith.constant 0 : i32
      %sign3A_159 = arith.cmpi slt, %scan3A_74, %sign3A_158 : i32
      %sign3A_160 = arith.extui %sign3A_159 : i1 to i32
      %sign3A_161 = arith.subi %sign3A_157, %sign3A_160 : i32
      %sign3A_162 = arith.constant 0 : i32
      %sign3A_163 = arith.cmpi sgt, %jit3A_153, %sign3A_162 : i32
      %sign3A_164 = arith.extui %sign3A_163 : i1 to i32
      %sign3A_165 = arith.constant 0 : i32
      %sign3A_166 = arith.cmpi slt, %jit3A_153, %sign3A_165 : i32
      %sign3A_167 = arith.extui %sign3A_166 : i1 to i32
      %sign3A_168 = arith.subi %sign3A_164, %sign3A_167 : i32
      %ne3A_169 = arith.cmpi ne, %sign3A_161, %sign3A_168 : i32
      %rem3A_170 = arith.remsi %scan3A_74, %jit3A_153 : i32
      %ne3A_171 = arith.constant 0 : i32
      %ne3A_172 = arith.cmpi ne, %rem3A_170, %ne3A_171 : i32
      %and3A_173 = arith.andi %ne3A_169, %ne3A_172 : i1
      %sub3A_174 = arith.constant 1 : i32
      %sub3A_175 = arith.subi %div3A_154, %sub3A_174 : i32
      %select_n3A_176 = arith.select %and3A_173, %sub3A_175, %div3A_154 : i32
      %jit3A_177 = arith.constant 8 : i32
      %eq3A_178 = arith.constant 0 : i32
      %eq3A_179 = arith.cmpi eq, %jit3A_177, %eq3A_178 : i32
      %jit3A_180 = arith.constant 1 : i32
      %select_n3A_181 = arith.select %eq3A_179, %jit3A_180, %jit3A_177 : i32
      %rem3A_182 = arith.remsi %scan3A_74, %select_n3A_181 : i32
      %ne3A_183 = arith.constant 0 : i32
      %ne3A_184 = arith.cmpi ne, %rem3A_182, %ne3A_183 : i32
      %lt3A_185 = arith.constant 0 : i32
      %lt3A_186 = arith.cmpi slt, %rem3A_182, %lt3A_185 : i32
      %lt3A_187 = arith.constant 0 : i32
      %lt3A_188 = arith.cmpi slt, %select_n3A_181, %lt3A_187 : i32
      %ne3A_189 = arith.xori %lt3A_186, %lt3A_188 : i1
      %and3A_190 = arith.andi %ne3A_189, %ne3A_184 : i1
      %add3A_191 = arith.addi %rem3A_182, %select_n3A_181 : i32
      %select_n3A_192 = arith.select %and3A_190, %add3A_191, %rem3A_182 : i32
      %mul3A_193 = arith.constant 16 : i32
      %mul3A_194 = arith.muli %select_n3A_192, %mul3A_193 : i32
      %swap3A = arith.index_cast %select_n3A_176 : i32 to index
      %swap3A_195 = arith.index_cast %mul3A_194 : i32 to index
      %swap3A_196 = tpu.vector_load %arg7[%swap3A, %swap3A_195] {strides = array<i32>} : memref<40x128xi32, #tpu.memory_space<vmem>>, vector<1x16xi32>,
      %swap3A_197 = vector.shape_cast %swap3A_196 : vector<1x16xi32> to vector<16xi32>
      %swap3A_198 = vector.shape_cast %add3A_152 : vector<16xi32> to vector<1x16xi32>
      tpu.vector_store %arg7[%swap3A, %swap3A_195], %swap3A_198 {strides = array<i32>} : memref<40x128xi32, #tpu.memory_space<vmem>>, vector<1x16xi32>,
    }
    %scan3A_11 = arith.constant 8 : i32
    %scan3A_12 = arith.constant 0 : i32
    %scan3A_13 = arith.constant 8 : i32
    %scan3A_14 = arith.constant 8 : i32
    %scan3A_15 = arith.addi %scan3A_13, %scan3A_14 : i32
    %scan3A_16 = arith.constant 1 : i32
    scf.for %scan3A_74 = %scan3A_13 to %scan3A_15 step %scan3A_16  : i32 {
      %jit3A = arith.constant 8 : i32
      %div3A = arith.divsi %scan3A_74, %jit3A : i32
      %sign3A = arith.constant 0 : i32
      %sign3A_75 = arith.cmpi sgt, %scan3A_74, %sign3A : i32
      %sign3A_76 = arith.extui %sign3A_75 : i1 to i32
      %sign3A_77 = arith.constant 0 : i32
      %sign3A_78 = arith.cmpi slt, %scan3A_74, %sign3A_77 : i32
      %sign3A_79 = arith.extui %sign3A_78 : i1 to i32
      %sign3A_80 = arith.subi %sign3A_76, %sign3A_79 : i32
      %sign3A_81 = arith.constant 0 : i32
      %sign3A_82 = arith.cmpi sgt, %jit3A, %sign3A_81 : i32
      %sign3A_83 = arith.extui %sign3A_82 : i1 to i32
      %sign3A_84 = arith.constant 0 : i32
      %sign3A_85 = arith.cmpi slt, %jit3A, %sign3A_84 : i32
      %sign3A_86 = arith.extui %sign3A_85 : i1 to i32
      %sign3A_87 = arith.subi %sign3A_83, %sign3A_86 : i32
      %ne3A = arith.cmpi ne, %sign3A_80, %sign3A_87 : i32
      %rem3A = arith.remsi %scan3A_74, %jit3A : i32
      %ne3A_88 = arith.constant 0 : i32
      %ne3A_89 = arith.cmpi ne, %rem3A, %ne3A_88 : i32
      %and3A = arith.andi %ne3A, %ne3A_89 : i1
      %sub3A = arith.constant 1 : i32
      %sub3A_90 = arith.subi %div3A, %sub3A : i32
      %select_n3A = arith.select %and3A, %sub3A_90, %div3A : i32
      %mul3A_91 = arith.constant 256 : i32
      %mul3A_92 = arith.muli %select_n3A, %mul3A_91 : i32
      %jit3A_93 = arith.constant 8 : i32
      %eq3A_94 = arith.constant 0 : i32
      %eq3A_95 = arith.cmpi eq, %jit3A_93, %eq3A_94 : i32
      %jit3A_96 = arith.constant 1 : i32
      %select_n3A_97 = arith.select %eq3A_95, %jit3A_96, %jit3A_93 : i32
      %rem3A_98 = arith.remsi %scan3A_74, %select_n3A_97 : i32
      %ne3A_99 = arith.constant 0 : i32
      %ne3A_100 = arith.cmpi ne, %rem3A_98, %ne3A_99 : i32
      %lt3A = arith.constant 0 : i32
      %lt3A_101 = arith.cmpi slt, %rem3A_98, %lt3A : i32
      %lt3A_102 = arith.constant 0 : i32
      %lt3A_103 = arith.cmpi slt, %select_n3A_97, %lt3A_102 : i32
      %ne3A_104 = arith.xori %lt3A_101, %lt3A_103 : i1
      %and3A_105 = arith.andi %ne3A_104, %ne3A_100 : i1
      %add3A_106 = arith.addi %rem3A_98, %select_n3A_97 : i32
      %select_n3A_107 = arith.select %and3A_105, %add3A_106, %rem3A_98 : i32
      %mul3A_108 = arith.constant 16 : i32
      %mul3A_109 = arith.muli %select_n3A_107, %mul3A_108 : i32
      %add3A_110 = arith.addi %mul3A_92, %mul3A_109 : i32
      %get3A = arith.index_cast %add3A_110 : i32 to index
      %get3A_111 = tpu.vector_load %arg6[%get3A] {strides = array<i32>} : memref<10240xi32, #tpu.memory_space<vmem>>, vector<16xi32>,
      %get3A_112 = vector.shape_cast %get3A_111 : vector<16xi32> to vector<16xi32>
      %add3A_113 = arith.constant 128 : i32
      %add3A_114 = arith.addi %add3A_110, %add3A_113 : i32
      %get3A_115 = arith.index_cast %add3A_114 : i32 to index
      %get3A_116 = tpu.vector_load %arg6[%get3A_115] {strides = array<i32>} : memref<10240xi32, #tpu.memory_space<vmem>>, vector<16xi32>,
      %get3A_117 = vector.shape_cast %get3A_116 : vector<16xi32> to vector<16xi32>
      %mul3A_118 = arith.constant 16 : i32
      %mul3A_119 = arith.muli %scan3A_74, %mul3A_118 : i32
      %add3A_120 = arith.addi %mul3A_2, %mul3A_119 : i32
      %jit3A_121 = arith.constant 16384 : i32
      %div3A_122 = arith.divsi %add3A_120, %jit3A_121 : i32
      %sign3A_123 = arith.constant 0 : i32
      %sign3A_124 = arith.cmpi sgt, %add3A_120, %sign3A_123 : i32
      %sign3A_125 = arith.extui %sign3A_124 : i1 to i32
      %sign3A_126 = arith.constant 0 : i32
      %sign3A_127 = arith.cmpi slt, %add3A_120, %sign3A_126 : i32
      %sign3A_128 = arith.extui %sign3A_127 : i1 to i32
      %sign3A_129 = arith.subi %sign3A_125, %sign3A_128 : i32
      %sign3A_130 = arith.constant 0 : i32
      %sign3A_131 = arith.cmpi sgt, %jit3A_121, %sign3A_130 : i32
      %sign3A_132 = arith.extui %sign3A_131 : i1 to i32
      %sign3A_133 = arith.constant 0 : i32
      %sign3A_134 = arith.cmpi slt, %jit3A_121, %sign3A_133 : i32
      %sign3A_135 = arith.extui %sign3A_134 : i1 to i32
      %sign3A_136 = arith.subi %sign3A_132, %sign3A_135 : i32
      %ne3A_137 = arith.cmpi ne, %sign3A_129, %sign3A_136 : i32
      %rem3A_138 = arith.remsi %add3A_120, %jit3A_121 : i32
      %ne3A_139 = arith.constant 0 : i32
      %ne3A_140 = arith.cmpi ne, %rem3A_138, %ne3A_139 : i32
      %and3A_141 = arith.andi %ne3A_137, %ne3A_140 : i1
      %sub3A_142 = arith.constant 1 : i32
      %sub3A_143 = arith.subi %div3A_122, %sub3A_142 : i32
      %select_n3A_144 = arith.select %and3A_141, %sub3A_143, %div3A_122 : i32
      %mul3A_145 = arith.constant 400 : i32
      %mul3A_146 = arith.muli %select_n3A_144, %mul3A_145 : i32
      %mul3A_147 = arith.constant 20 : i32
      %mul3A_148 = vector.broadcast %mul3A_147 : i32 to vector<16xi32>
      %mul3A_149 = arith.muli %get3A_112, %mul3A_148 : vector<16xi32>
      %add3A_150 = vector.broadcast %mul3A_146 : i32 to vector<16xi32>
      %add3A_151 = arith.addi %add3A_150, %mul3A_149 : vector<16xi32>
      %add3A_152 = arith.addi %add3A_151, %get3A_117 : vector<16xi32>
      %jit3A_153 = arith.constant 8 : i32
      %div3A_154 = arith.divsi %scan3A_74, %jit3A_153 : i32
      %sign3A_155 = arith.constant 0 : i32
      %sign3A_156 = arith.cmpi sgt, %scan3A_74, %sign3A_155 : i32
      %sign3A_157 = arith.extui %sign3A_156 : i1 to i32
      %sign3A_158 = arith.constant 0 : i32
      %sign3A_159 = arith.cmpi slt, %scan3A_74, %sign3A_158 : i32
      %sign3A_160 = arith.extui %sign3A_159 : i1 to i32
      %sign3A_161 = arith.subi %sign3A_157, %sign3A_160 : i32
      %sign3A_162 = arith.constant 0 : i32
      %sign3A_163 = arith.cmpi sgt, %jit3A_153, %sign3A_162 : i32
      %sign3A_164 = arith.extui %sign3A_163 : i1 to i32
      %sign3A_165 = arith.constant 0 : i32
      %sign3A_166 = arith.cmpi slt, %jit3A_153, %sign3A_165 : i32
      %sign3A_167 = arith.extui %sign3A_166 : i1 to i32
      %sign3A_168 = arith.subi %sign3A_164, %sign3A_167 : i32
      %ne3A_169 = arith.cmpi ne, %sign3A_161, %sign3A_168 : i32
      %rem3A_170 = arith.remsi %scan3A_74, %jit3A_153 : i32
      %ne3A_171 = arith.constant 0 : i32
      %ne3A_172 = arith.cmpi ne, %rem3A_170, %ne3A_171 : i32
      %and3A_173 = arith.andi %ne3A_169, %ne3A_172 : i1
      %sub3A_174 = arith.constant 1 : i32
      %sub3A_175 = arith.subi %div3A_154, %sub3A_174 : i32
      %select_n3A_176 = arith.select %and3A_173, %sub3A_175, %div3A_154 : i32
      %jit3A_177 = arith.constant 8 : i32
      %eq3A_178 = arith.constant 0 : i32
      %eq3A_179 = arith.cmpi eq, %jit3A_177, %eq3A_178 : i32
      %jit3A_180 = arith.constant 1 : i32
      %select_n3A_181 = arith.select %eq3A_179, %jit3A_180, %jit3A_177 : i32
      %rem3A_182 = arith.remsi %scan3A_74, %select_n3A_181 : i32
      %ne3A_183 = arith.constant 0 : i32
      %ne3A_184 = arith.cmpi ne, %rem3A_182, %ne3A_183 : i32
      %lt3A_185 = arith.constant 0 : i32
      %lt3A_186 = arith.cmpi slt, %rem3A_182, %lt3A_185 : i32
      %lt3A_187 = arith.constant 0 : i32
      %lt3A_188 = arith.cmpi slt, %select_n3A_181, %lt3A_187 : i32
      %ne3A_189 = arith.xori %lt3A_186, %lt3A_188 : i1
      %and3A_190 = arith.andi %ne3A_189, %ne3A_184 : i1
      %add3A_191 = arith.addi %rem3A_182, %select_n3A_181 : i32
      %select_n3A_192 = arith.select %and3A_190, %add3A_191, %rem3A_182 : i32
      %mul3A_193 = arith.constant 16 : i32
      %mul3A_194 = arith.muli %select_n3A_192, %mul3A_193 : i32
      %swap3A = arith.index_cast %select_n3A_176 : i32 to index
      %swap3A_195 = arith.index_cast %mul3A_194 : i32 to index
      %swap3A_196 = tpu.vector_load %arg7[%swap3A, %swap3A_195] {strides = array<i32>} : memref<40x128xi32, #tpu.memory_space<vmem>>, vector<1x16xi32>,
      %swap3A_197 = vector.shape_cast %swap3A_196 : vector<1x16xi32> to vector<16xi32>
      %swap3A_198 = vector.shape_cast %add3A_152 : vector<16xi32> to vector<1x16xi32>
      tpu.vector_store %arg7[%swap3A, %swap3A_195], %swap3A_198 {strides = array<i32>} : memref<40x128xi32, #tpu.memory_space<vmem>>, vector<1x16xi32>,
    }
    %scan3A_17 = arith.constant 8 : i32
    %eq3A_18 = arith.constant 0 : i32
    %eq3A_19 = arith.cmpi eq, %arg1, %eq3A_18 : i32
    %convert_element_type3A_20 = arith.extui %eq3A_19 : i1 to i32
    %cond3A_21 = arith.constant 0 : i32
    %cond3A_22 = arith.cmpi ne, %convert_element_type3A_20, %cond3A_21 : i32
    scf.if %cond3A_22 {
      tpu.wait_dma2 semaphore(%arg23 : memref<!tpu.dma_semaphore, #tpu.memory_space<semaphore_mem>>) src(%arg2 : memref<4000x128xf32, #tpu.memory_space<hbm>>) dst(%arg5 : memref<4000x128xf32, #tpu.memory_space<vmem_shared>>)
    } else {
    }
    %barrier3A = arith.constant 0 : index
    tpu.barrier barrier_id(%barrier3A)
    %scan3A_23 = arith.constant 0 : i32
    %scan3A_24 = arith.constant 16 : i32
    %scan3A_25 = arith.constant 8 : i32
    %scan3A_26 = arith.addi %scan3A_24, %scan3A_25 : i32
    %scan3A_27 = arith.constant 1 : i32
    scf.for %scan3A_74 = %scan3A_24 to %scan3A_26 step %scan3A_27  : i32 {
      %jit3A = arith.constant 8 : i32
      %div3A = arith.divsi %scan3A_74, %jit3A : i32
      %sign3A = arith.constant 0 : i32
      %sign3A_75 = arith.cmpi sgt, %scan3A_74, %sign3A : i32
      %sign3A_76 = arith.extui %sign3A_75 : i1 to i32
      %sign3A_77 = arith.constant 0 : i32
      %sign3A_78 = arith.cmpi slt, %scan3A_74, %sign3A_77 : i32
      %sign3A_79 = arith.extui %sign3A_78 : i1 to i32
      %sign3A_80 = arith.subi %sign3A_76, %sign3A_79 : i32
      %sign3A_81 = arith.constant 0 : i32
      %sign3A_82 = arith.cmpi sgt, %jit3A, %sign3A_81 : i32
      %sign3A_83 = arith.extui %sign3A_82 : i1 to i32
      %sign3A_84 = arith.constant 0 : i32
      %sign3A_85 = arith.cmpi slt, %jit3A, %sign3A_84 : i32
      %sign3A_86 = arith.extui %sign3A_85 : i1 to i32
      %sign3A_87 = arith.subi %sign3A_83, %sign3A_86 : i32
      %ne3A = arith.cmpi ne, %sign3A_80, %sign3A_87 : i32
      %rem3A = arith.remsi %scan3A_74, %jit3A : i32
      %ne3A_88 = arith.constant 0 : i32
      %ne3A_89 = arith.cmpi ne, %rem3A, %ne3A_88 : i32
      %and3A = arith.andi %ne3A, %ne3A_89 : i1
      %sub3A = arith.constant 1 : i32
      %sub3A_90 = arith.subi %div3A, %sub3A : i32
      %select_n3A = arith.select %and3A, %sub3A_90, %div3A : i32
      %mul3A_91 = arith.constant 256 : i32
      %mul3A_92 = arith.muli %select_n3A, %mul3A_91 : i32
      %jit3A_93 = arith.constant 8 : i32
      %eq3A_94 = arith.constant 0 : i32
      %eq3A_95 = arith.cmpi eq, %jit3A_93, %eq3A_94 : i32
      %jit3A_96 = arith.constant 1 : i32
      %select_n3A_97 = arith.select %eq3A_95, %jit3A_96, %jit3A_93 : i32
      %rem3A_98 = arith.remsi %scan3A_74, %select_n3A_97 : i32
      %ne3A_99 = arith.constant 0 : i32
      %ne3A_100 = arith.cmpi ne, %rem3A_98, %ne3A_99 : i32
      %lt3A = arith.constant 0 : i32
      %lt3A_101 = arith.cmpi slt, %rem3A_98, %lt3A : i32
      %lt3A_102 = arith.constant 0 : i32
      %lt3A_103 = arith.cmpi slt, %select_n3A_97, %lt3A_102 : i32
      %ne3A_104 = arith.xori %lt3A_101, %lt3A_103 : i1
      %and3A_105 = arith.andi %ne3A_104, %ne3A_100 : i1
      %add3A_106 = arith.addi %rem3A_98, %select_n3A_97 : i32
      %select_n3A_107 = arith.select %and3A_105, %add3A_106, %rem3A_98 : i32
      %mul3A_108 = arith.constant 16 : i32
      %mul3A_109 = arith.muli %select_n3A_107, %mul3A_108 : i32
      %add3A_110 = arith.addi %mul3A_92, %mul3A_109 : i32
      %get3A = arith.index_cast %add3A_110 : i32 to index
      %get3A_111 = tpu.vector_load %arg6[%get3A] {strides = array<i32>} : memref<10240xi32, #tpu.memory_space<vmem>>, vector<16xi32>,
      %get3A_112 = vector.shape_cast %get3A_111 : vector<16xi32> to vector<16xi32>
      %add3A_113 = arith.constant 128 : i32
      %add3A_114 = arith.addi %add3A_110, %add3A_113 : i32
      %get3A_115 = arith.index_cast %add3A_114 : i32 to index
      %get3A_116 = tpu.vector_load %arg6[%get3A_115] {strides = array<i32>} : memref<10240xi32, #tpu.memory_space<vmem>>, vector<16xi32>,
      %get3A_117 = vector.shape_cast %get3A_116 : vector<16xi32> to vector<16xi32>
      %mul3A_118 = arith.constant 16 : i32
      %mul3A_119 = arith.muli %scan3A_74, %mul3A_118 : i32
      %add3A_120 = arith.addi %mul3A_2, %mul3A_119 : i32
      %jit3A_121 = arith.constant 16384 : i32
      %div3A_122 = arith.divsi %add3A_120, %jit3A_121 : i32
      %sign3A_123 = arith.constant 0 : i32
      %sign3A_124 = arith.cmpi sgt, %add3A_120, %sign3A_123 : i32
      %sign3A_125 = arith.extui %sign3A_124 : i1 to i32
      %sign3A_126 = arith.constant 0 : i32
      %sign3A_127 = arith.cmpi slt, %add3A_120, %sign3A_126 : i32
      %sign3A_128 = arith.extui %sign3A_127 : i1 to i32
      %sign3A_129 = arith.subi %sign3A_125, %sign3A_128 : i32
      %sign3A_130 = arith.constant 0 : i32
      %sign3A_131 = arith.cmpi sgt, %jit3A_121, %sign3A_130 : i32
      %sign3A_132 = arith.extui %sign3A_131 : i1 to i32
      %sign3A_133 = arith.constant 0 : i32
      %sign3A_134 = arith.cmpi slt, %jit3A_121, %sign3A_133 : i32
      %sign3A_135 = arith.extui %sign3A_134 : i1 to i32
      %sign3A_136 = arith.subi %sign3A_132, %sign3A_135 : i32
      %ne3A_137 = arith.cmpi ne, %sign3A_129, %sign3A_136 : i32
      %rem3A_138 = arith.remsi %add3A_120, %jit3A_121 : i32
      %ne3A_139 = arith.constant 0 : i32
      %ne3A_140 = arith.cmpi ne, %rem3A_138, %ne3A_139 : i32
      %and3A_141 = arith.andi %ne3A_137, %ne3A_140 : i1
      %sub3A_142 = arith.constant 1 : i32
      %sub3A_143 = arith.subi %div3A_122, %sub3A_142 : i32
      %select_n3A_144 = arith.select %and3A_141, %sub3A_143, %div3A_122 : i32
      %mul3A_145 = arith.constant 400 : i32
      %mul3A_146 = arith.muli %select_n3A_144, %mul3A_145 : i32
      %mul3A_147 = arith.constant 20 : i32
      %mul3A_148 = vector.broadcast %mul3A_147 : i32 to vector<16xi32>
      %mul3A_149 = arith.muli %get3A_112, %mul3A_148 : vector<16xi32>
      %add3A_150 = vector.broadcast %mul3A_146 : i32 to vector<16xi32>
      %add3A_151 = arith.addi %add3A_150, %mul3A_149 : vector<16xi32>
      %add3A_152 = arith.addi %add3A_151, %get3A_117 : vector<16xi32>
      %jit3A_153 = arith.constant 8 : i32
      %div3A_154 = arith.divsi %scan3A_74, %jit3A_153 : i32
      %sign3A_155 = arith.constant 0 : i32
      %sign3A_156 = arith.cmpi sgt, %scan3A_74, %sign3A_155 : i32
      %sign3A_157 = arith.extui %sign3A_156 : i1 to i32
      %sign3A_158 = arith.constant 0 : i32
      %sign3A_159 = arith.cmpi slt, %scan3A_74, %sign3A_158 : i32
      %sign3A_160 = arith.extui %sign3A_159 : i1 to i32
      %sign3A_161 = arith.subi %sign3A_157, %sign3A_160 : i32
      %sign3A_162 = arith.constant 0 : i32
      %sign3A_163 = arith.cmpi sgt, %jit3A_153, %sign3A_162 : i32
      %sign3A_164 = arith.extui %sign3A_163 : i1 to i32
      %sign3A_165 = arith.constant 0 : i32
      %sign3A_166 = arith.cmpi slt, %jit3A_153, %sign3A_165 : i32
      %sign3A_167 = arith.extui %sign3A_166 : i1 to i32
      %sign3A_168 = arith.subi %sign3A_164, %sign3A_167 : i32
      %ne3A_169 = arith.cmpi ne, %sign3A_161, %sign3A_168 : i32
      %rem3A_170 = arith.remsi %scan3A_74, %jit3A_153 : i32
      %ne3A_171 = arith.constant 0 : i32
      %ne3A_172 = arith.cmpi ne, %rem3A_170, %ne3A_171 : i32
      %and3A_173 = arith.andi %ne3A_169, %ne3A_172 : i1
      %sub3A_174 = arith.constant 1 : i32
      %sub3A_175 = arith.subi %div3A_154, %sub3A_174 : i32
      %select_n3A_176 = arith.select %and3A_173, %sub3A_175, %div3A_154 : i32
      %jit3A_177 = arith.constant 8 : i32
      %eq3A_178 = arith.constant 0 : i32
      %eq3A_179 = arith.cmpi eq, %jit3A_177, %eq3A_178 : i32
      %jit3A_180 = arith.constant 1 : i32
      %select_n3A_181 = arith.select %eq3A_179, %jit3A_180, %jit3A_177 : i32
      %rem3A_182 = arith.remsi %scan3A_74, %select_n3A_181 : i32
      %ne3A_183 = arith.constant 0 : i32
      %ne3A_184 = arith.cmpi ne, %rem3A_182, %ne3A_183 : i32
      %lt3A_185 = arith.constant 0 : i32
      %lt3A_186 = arith.cmpi slt, %rem3A_182, %lt3A_185 : i32
      %lt3A_187 = arith.constant 0 : i32
      %lt3A_188 = arith.cmpi slt, %select_n3A_181, %lt3A_187 : i32
      %ne3A_189 = arith.xori %lt3A_186, %lt3A_188 : i1
      %and3A_190 = arith.andi %ne3A_189, %ne3A_184 : i1
      %add3A_191 = arith.addi %rem3A_182, %select_n3A_181 : i32
      %select_n3A_192 = arith.select %and3A_190, %add3A_191, %rem3A_182 : i32
      %mul3A_193 = arith.constant 16 : i32
      %mul3A_194 = arith.muli %select_n3A_192, %mul3A_193 : i32
      %swap3A = arith.index_cast %select_n3A_176 : i32 to index
      %swap3A_195 = arith.index_cast %mul3A_194 : i32 to index
      %swap3A_196 = tpu.vector_load %arg7[%swap3A, %swap3A_195] {strides = array<i32>} : memref<40x128xi32, #tpu.memory_space<vmem>>, vector<1x16xi32>,
      %swap3A_197 = vector.shape_cast %swap3A_196 : vector<1x16xi32> to vector<16xi32>
      %swap3A_198 = vector.shape_cast %add3A_152 : vector<16xi32> to vector<1x16xi32>
      tpu.vector_store %arg7[%swap3A, %swap3A_195], %swap3A_198 {strides = array<i32>} : memref<40x128xi32, #tpu.memory_space<vmem>>, vector<1x16xi32>,
    }
    %scan3A_28 = arith.constant 8 : i32
    %dma_start3A = arith.constant 0 : i32
    %dma_start3A_29 = arith.constant 0 : i32
    %dma_start3A_30 = tpu.memref_slice %arg7[%dma_start3A, %dma_start3A_29] : memref<40x128xi32, #tpu.memory_space<vmem>> -> memref<1x128xi32, #tpu.memory_space<vmem>>
    %dma_start3A_31 = tpu.memref_squeeze %dma_start3A_30 : memref<1x128xi32, #tpu.memory_space<vmem>> -> memref<128xi32, #tpu.memory_space<vmem>>
    %dma_start3A_32 = arith.constant 0 : i32
    %dma_start3A_33 = arith.constant 0 : i32
    %dma_start3A_34 = tpu.memref_slice %arg5[%dma_start3A_32, %dma_start3A_33] : memref<4000x128xf32, #tpu.memory_space<vmem_shared>> -> memref<4000x128xf32, #tpu.memory_space<vmem_shared>>
    tpu.enqueue_indirect_dma source(%dma_start3A_34 : memref<4000x128xf32, #tpu.memory_space<vmem_shared>>) target(%arg8 : memref<128x128xf32, #tpu.memory_space<vmem>>) offsets(%dma_start3A_31 : memref<128xi32, #tpu.memory_space<vmem>>) semaphore(%arg13 : memref<!tpu.dma_semaphore, #tpu.memory_space<semaphore_mem>>)
    %dma_start3A_35 = arith.constant 1 : i32
    %dma_start3A_36 = arith.constant 0 : i32
    %dma_start3A_37 = tpu.memref_slice %arg7[%dma_start3A_35, %dma_start3A_36] : memref<40x128xi32, #tpu.memory_space<vmem>> -> memref<1x128xi32, #tpu.memory_space<vmem>>
    %dma_start3A_38 = tpu.memref_squeeze %dma_start3A_37 : memref<1x128xi32, #tpu.memory_space<vmem>> -> memref<128xi32, #tpu.memory_space<vmem>>
    %dma_start3A_39 = arith.constant 0 : i32
    %dma_start3A_40 = arith.constant 0 : i32
    %dma_start3A_41 = tpu.memref_slice %arg5[%dma_start3A_39, %dma_start3A_40] : memref<4000x128xf32, #tpu.memory_space<vmem_shared>> -> memref<4000x128xf32, #tpu.memory_space<vmem_shared>>
    tpu.enqueue_indirect_dma source(%dma_start3A_41 : memref<4000x128xf32, #tpu.memory_space<vmem_shared>>) target(%arg9 : memref<128x128xf32, #tpu.memory_space<vmem>>) offsets(%dma_start3A_38 : memref<128xi32, #tpu.memory_space<vmem>>) semaphore(%arg14 : memref<!tpu.dma_semaphore, #tpu.memory_space<semaphore_mem>>)
    %dma_start3A_42 = arith.constant 2 : i32
    %dma_start3A_43 = arith.constant 0 : i32
    %dma_start3A_44 = tpu.memref_slice %arg7[%dma_start3A_42, %dma_start3A_43] : memref<40x128xi32, #tpu.memory_space<vmem>> -> memref<1x128xi32, #tpu.memory_space<vmem>>
    %dma_start3A_45 = tpu.memref_squeeze %dma_start3A_44 : memref<1x128xi32, #tpu.memory_space<vmem>> -> memref<128xi32, #tpu.memory_space<vmem>>
    %dma_start3A_46 = arith.constant 0 : i32
    %dma_start3A_47 = arith.constant 0 : i32
    %dma_start3A_48 = tpu.memref_slice %arg5[%dma_start3A_46, %dma_start3A_47] : memref<4000x128xf32, #tpu.memory_space<vmem_shared>> -> memref<4000x128xf32, #tpu.memory_space<vmem_shared>>
    tpu.enqueue_indirect_dma source(%dma_start3A_48 : memref<4000x128xf32, #tpu.memory_space<vmem_shared>>) target(%arg10 : memref<128x128xf32, #tpu.memory_space<vmem>>) offsets(%dma_start3A_45 : memref<128xi32, #tpu.memory_space<vmem>>) semaphore(%arg15 : memref<!tpu.dma_semaphore, #tpu.memory_space<semaphore_mem>>)
    %scan3A_49 = arith.constant 0 : i32
    %scan3A_50 = arith.constant 0 : i32
    %scan3A_51 = arith.constant 8 : i32
    %scan3A_52 = arith.addi %scan3A_50, %scan3A_51 : i32
    %scan3A_53 = arith.constant 1 : i32
    scf.for %scan3A_74 = %scan3A_50 to %scan3A_52 step %scan3A_53  : i32 {
      %mul3A_75 = arith.constant 5 : i32
      %mul3A_76 = arith.muli %scan3A_74, %mul3A_75 : i32
      %add3A_77 = arith.constant 0 : i32
      %add3A_78 = arith.addi %mul3A_76, %add3A_77 : i32
      %lt3A = arith.constant 37 : i32
      %lt3A_79 = arith.cmpi slt, %add3A_78, %lt3A : i32
      %convert_element_type3A_80 = arith.extui %lt3A_79 : i1 to i32
      %cond3A_81 = arith.constant 0 : i32
      %cond3A_82 = arith.cmpi ne, %convert_element_type3A_80, %cond3A_81 : i32
      scf.if %cond3A_82 {
        %add3A_214 = arith.constant 3 : i32
        %add3A_215 = arith.addi %add3A_78, %add3A_214 : i32
        %mul3A_216 = arith.constant 8 : i32
        %mul3A_217 = arith.muli %add3A_215, %mul3A_216 : i32
        %mul3A_218 = arith.constant 8 : i32
        %mul3A_219 = arith.muli %add3A_215, %mul3A_218 : i32
        %add3A_220 = arith.constant 8 : i32
        %add3A_221 = arith.addi %mul3A_219, %add3A_220 : i32
        %while3A = arith.constant 0 : i32
        %while3A_222 = arith.subi %add3A_221, %mul3A_217 : i32
        %while3A_223 = arith.addi %mul3A_217, %while3A_222 : i32
        %while3A_224 = arith.constant 1 : i32
        %while3A_225 = arith.divsi %while3A_222, %while3A_224 : i32
        %while3A_226 = arith.muli %while3A_225, %while3A_224 : i32
        %while3A_227 = arith.addi %mul3A_217, %while3A_226 : i32
        %while3A_228 = arith.constant 1 : i32
        scf.for %while3A_230 = %mul3A_217 to %while3A_227 step %while3A_228  : i32 {
          %jit3A = arith.constant 8 : i32
          %div3A = arith.divsi %while3A_230, %jit3A : i32
          %sign3A = arith.constant 0 : i32
          %sign3A_231 = arith.cmpi sgt, %while3A_230, %sign3A : i32
          %sign3A_232 = arith.extui %sign3A_231 : i1 to i32
          %sign3A_233 = arith.constant 0 : i32
          %sign3A_234 = arith.cmpi slt, %while3A_230, %sign3A_233 : i32
          %sign3A_235 = arith.extui %sign3A_234 : i1 to i32
          %sign3A_236 = arith.subi %sign3A_232, %sign3A_235 : i32
          %sign3A_237 = arith.constant 0 : i32
          %sign3A_238 = arith.cmpi sgt, %jit3A, %sign3A_237 : i32
          %sign3A_239 = arith.extui %sign3A_238 : i1 to i32
          %sign3A_240 = arith.constant 0 : i32
          %sign3A_241 = arith.cmpi slt, %jit3A, %sign3A_240 : i32
          %sign3A_242 = arith.extui %sign3A_241 : i1 to i32
          %sign3A_243 = arith.subi %sign3A_239, %sign3A_242 : i32
          %ne3A = arith.cmpi ne, %sign3A_236, %sign3A_243 : i32
          %rem3A = arith.remsi %while3A_230, %jit3A : i32
          %ne3A_244 = arith.constant 0 : i32
          %ne3A_245 = arith.cmpi ne, %rem3A, %ne3A_244 : i32
          %and3A = arith.andi %ne3A, %ne3A_245 : i1
          %sub3A = arith.constant 1 : i32
          %sub3A_246 = arith.subi %div3A, %sub3A : i32
          %select_n3A = arith.select %and3A, %sub3A_246, %div3A : i32
          %mul3A_247 = arith.constant 256 : i32
          %mul3A_248 = arith.muli %select_n3A, %mul3A_247 : i32
          %jit3A_249 = arith.constant 8 : i32
          %eq3A_250 = arith.constant 0 : i32
          %eq3A_251 = arith.cmpi eq, %jit3A_249, %eq3A_250 : i32
          %jit3A_252 = arith.constant 1 : i32
          %select_n3A_253 = arith.select %eq3A_251, %jit3A_252, %jit3A_249 : i32
          %rem3A_254 = arith.remsi %while3A_230, %select_n3A_253 : i32
          %ne3A_255 = arith.constant 0 : i32
          %ne3A_256 = arith.cmpi ne, %rem3A_254, %ne3A_255 : i32
          %lt3A_257 = arith.constant 0 : i32
          %lt3A_258 = arith.cmpi slt, %rem3A_254, %lt3A_257 : i32
          %lt3A_259 = arith.constant 0 : i32
          %lt3A_260 = arith.cmpi slt, %select_n3A_253, %lt3A_259 : i32
          %ne3A_261 = arith.xori %lt3A_258, %lt3A_260 : i1
          %and3A_262 = arith.andi %ne3A_261, %ne3A_256 : i1
          %add3A_263 = arith.addi %rem3A_254, %select_n3A_253 : i32
          %select_n3A_264 = arith.select %and3A_262, %add3A_263, %rem3A_254 : i32
          %mul3A_265 = arith.constant 16 : i32
          %mul3A_266 = arith.muli %select_n3A_264, %mul3A_265 : i32
          %add3A_267 = arith.addi %mul3A_248, %mul3A_266 : i32
          %get3A = arith.index_cast %add3A_267 : i32 to index
          %get3A_268 = tpu.vector_load %arg6[%get3A] {strides = array<i32>} : memref<10240xi32, #tpu.memory_space<vmem>>, vector<16xi32>,
          %get3A_269 = vector.shape_cast %get3A_268 : vector<16xi32> to vector<16xi32>
          %add3A_270 = arith.constant 128 : i32
          %add3A_271 = arith.addi %add3A_267, %add3A_270 : i32
          %get3A_272 = arith.index_cast %add3A_271 : i32 to index
          %get3A_273 = tpu.vector_load %arg6[%get3A_272] {strides = array<i32>} : memref<10240xi32, #tpu.memory_space<vmem>>, vector<16xi32>,
          %get3A_274 = vector.shape_cast %get3A_273 : vector<16xi32> to vector<16xi32>
          %mul3A_275 = arith.constant 16 : i32
          %mul3A_276 = arith.muli %while3A_230, %mul3A_275 : i32
          %add3A_277 = arith.addi %mul3A_2, %mul3A_276 : i32
          %jit3A_278 = arith.constant 16384 : i32
          %div3A_279 = arith.divsi %add3A_277, %jit3A_278 : i32
          %sign3A_280 = arith.constant 0 : i32
          %sign3A_281 = arith.cmpi sgt, %add3A_277, %sign3A_280 : i32
          %sign3A_282 = arith.extui %sign3A_281 : i1 to i32
          %sign3A_283 = arith.constant 0 : i32
          %sign3A_284 = arith.cmpi slt, %add3A_277, %sign3A_283 : i32
          %sign3A_285 = arith.extui %sign3A_284 : i1 to i32
          %sign3A_286 = arith.subi %sign3A_282, %sign3A_285 : i32
          %sign3A_287 = arith.constant 0 : i32
          %sign3A_288 = arith.cmpi sgt, %jit3A_278, %sign3A_287 : i32
          %sign3A_289 = arith.extui %sign3A_288 : i1 to i32
          %sign3A_290 = arith.constant 0 : i32
          %sign3A_291 = arith.cmpi slt, %jit3A_278, %sign3A_290 : i32
          %sign3A_292 = arith.extui %sign3A_291 : i1 to i32
          %sign3A_293 = arith.subi %sign3A_289, %sign3A_292 : i32
          %ne3A_294 = arith.cmpi ne, %sign3A_286, %sign3A_293 : i32
          %rem3A_295 = arith.remsi %add3A_277, %jit3A_278 : i32
          %ne3A_296 = arith.constant 0 : i32
          %ne3A_297 = arith.cmpi ne, %rem3A_295, %ne3A_296 : i32
          %and3A_298 = arith.andi %ne3A_294, %ne3A_297 : i1
          %sub3A_299 = arith.constant 1 : i32
          %sub3A_300 = arith.subi %div3A_279, %sub3A_299 : i32
          %select_n3A_301 = arith.select %and3A_298, %sub3A_300, %div3A_279 : i32
          %mul3A_302 = arith.constant 400 : i32
          %mul3A_303 = arith.muli %select_n3A_301, %mul3A_302 : i32
          %mul3A_304 = arith.constant 20 : i32
          %mul3A_305 = vector.broadcast %mul3A_304 : i32 to vector<16xi32>
          %mul3A_306 = arith.muli %get3A_269, %mul3A_305 : vector<16xi32>
          %add3A_307 = vector.broadcast %mul3A_303 : i32 to vector<16xi32>
          %add3A_308 = arith.addi %add3A_307, %mul3A_306 : vector<16xi32>
          %add3A_309 = arith.addi %add3A_308, %get3A_274 : vector<16xi32>
          %jit3A_310 = arith.constant 8 : i32
          %div3A_311 = arith.divsi %while3A_230, %jit3A_310 : i32
          %sign3A_312 = arith.constant 0 : i32
          %sign3A_313 = arith.cmpi sgt, %while3A_230, %sign3A_312 : i32
          %sign3A_314 = arith.extui %sign3A_313 : i1 to i32
          %sign3A_315 = arith.constant 0 : i32
          %sign3A_316 = arith.cmpi slt, %while3A_230, %sign3A_315 : i32
          %sign3A_317 = arith.extui %sign3A_316 : i1 to i32
          %sign3A_318 = arith.subi %sign3A_314, %sign3A_317 : i32
          %sign3A_319 = arith.constant 0 : i32
          %sign3A_320 = arith.cmpi sgt, %jit3A_310, %sign3A_319 : i32
          %sign3A_321 = arith.extui %sign3A_320 : i1 to i32
          %sign3A_322 = arith.constant 0 : i32
          %sign3A_323 = arith.cmpi slt, %jit3A_310, %sign3A_322 : i32
          %sign3A_324 = arith.extui %sign3A_323 : i1 to i32
          %sign3A_325 = arith.subi %sign3A_321, %sign3A_324 : i32
          %ne3A_326 = arith.cmpi ne, %sign3A_318, %sign3A_325 : i32
          %rem3A_327 = arith.remsi %while3A_230, %jit3A_310 : i32
          %ne3A_328 = arith.constant 0 : i32
          %ne3A_329 = arith.cmpi ne, %rem3A_327, %ne3A_328 : i32
          %and3A_330 = arith.andi %ne3A_326, %ne3A_329 : i1
          %sub3A_331 = arith.constant 1 : i32
          %sub3A_332 = arith.subi %div3A_311, %sub3A_331 : i32
          %select_n3A_333 = arith.select %and3A_330, %sub3A_332, %div3A_311 : i32
          %jit3A_334 = arith.constant 8 : i32
          %eq3A_335 = arith.constant 0 : i32
          %eq3A_336 = arith.cmpi eq, %jit3A_334, %eq3A_335 : i32
          %jit3A_337 = arith.constant 1 : i32
          %select_n3A_338 = arith.select %eq3A_336, %jit3A_337, %jit3A_334 : i32
          %rem3A_339 = arith.remsi %while3A_230, %select_n3A_338 : i32
          %ne3A_340 = arith.constant 0 : i32
          %ne3A_341 = arith.cmpi ne, %rem3A_339, %ne3A_340 : i32
          %lt3A_342 = arith.constant 0 : i32
          %lt3A_343 = arith.cmpi slt, %rem3A_339, %lt3A_342 : i32
          %lt3A_344 = arith.constant 0 : i32
          %lt3A_345 = arith.cmpi slt, %select_n3A_338, %lt3A_344 : i32
          %ne3A_346 = arith.xori %lt3A_343, %lt3A_345 : i1
          %and3A_347 = arith.andi %ne3A_346, %ne3A_341 : i1
          %add3A_348 = arith.addi %rem3A_339, %select_n3A_338 : i32
          %select_n3A_349 = arith.select %and3A_347, %add3A_348, %rem3A_339 : i32
          %mul3A_350 = arith.constant 16 : i32
          %mul3A_351 = arith.muli %select_n3A_349, %mul3A_350 : i32
          %swap3A = arith.index_cast %select_n3A_333 : i32 to index
          %swap3A_352 = arith.index_cast %mul3A_351 : i32 to index
          %swap3A_353 = tpu.vector_load %arg7[%swap3A, %swap3A_352] {strides = array<i32>} : memref<40x128xi32, #tpu.memory_space<vmem>>, vector<1x16xi32>,
          %swap3A_354 = vector.shape_cast %swap3A_353 : vector<1x16xi32> to vector<16xi32>
          %swap3A_355 = vector.shape_cast %add3A_309 : vector<16xi32> to vector<1x16xi32>
          tpu.vector_store %arg7[%swap3A, %swap3A_352], %swap3A_355 {strides = array<i32>} : memref<40x128xi32, #tpu.memory_space<vmem>>, vector<1x16xi32>,
        }
        %while3A_229 = arith.constant 1 : i32
        scf.for %while3A_230 = %while3A_227 to %while3A_223 step %while3A_229  : i32 {
          %jit3A = arith.constant 8 : i32
          %div3A = arith.divsi %while3A_230, %jit3A : i32
          %sign3A = arith.constant 0 : i32
          %sign3A_231 = arith.cmpi sgt, %while3A_230, %sign3A : i32
          %sign3A_232 = arith.extui %sign3A_231 : i1 to i32
          %sign3A_233 = arith.constant 0 : i32
          %sign3A_234 = arith.cmpi slt, %while3A_230, %sign3A_233 : i32
          %sign3A_235 = arith.extui %sign3A_234 : i1 to i32
          %sign3A_236 = arith.subi %sign3A_232, %sign3A_235 : i32
          %sign3A_237 = arith.constant 0 : i32
          %sign3A_238 = arith.cmpi sgt, %jit3A, %sign3A_237 : i32
          %sign3A_239 = arith.extui %sign3A_238 : i1 to i32
          %sign3A_240 = arith.constant 0 : i32
          %sign3A_241 = arith.cmpi slt, %jit3A, %sign3A_240 : i32
          %sign3A_242 = arith.extui %sign3A_241 : i1 to i32
          %sign3A_243 = arith.subi %sign3A_239, %sign3A_242 : i32
          %ne3A = arith.cmpi ne, %sign3A_236, %sign3A_243 : i32
          %rem3A = arith.remsi %while3A_230, %jit3A : i32
          %ne3A_244 = arith.constant 0 : i32
          %ne3A_245 = arith.cmpi ne, %rem3A, %ne3A_244 : i32
          %and3A = arith.andi %ne3A, %ne3A_245 : i1
          %sub3A = arith.constant 1 : i32
          %sub3A_246 = arith.subi %div3A, %sub3A : i32
          %select_n3A = arith.select %and3A, %sub3A_246, %div3A : i32
          %mul3A_247 = arith.constant 256 : i32
          %mul3A_248 = arith.muli %select_n3A, %mul3A_247 : i32
          %jit3A_249 = arith.constant 8 : i32
          %eq3A_250 = arith.constant 0 : i32
          %eq3A_251 = arith.cmpi eq, %jit3A_249, %eq3A_250 : i32
          %jit3A_252 = arith.constant 1 : i32
          %select_n3A_253 = arith.select %eq3A_251, %jit3A_252, %jit3A_249 : i32
          %rem3A_254 = arith.remsi %while3A_230, %select_n3A_253 : i32
          %ne3A_255 = arith.constant 0 : i32
          %ne3A_256 = arith.cmpi ne, %rem3A_254, %ne3A_255 : i32
          %lt3A_257 = arith.constant 0 : i32
          %lt3A_258 = arith.cmpi slt, %rem3A_254, %lt3A_257 : i32
          %lt3A_259 = arith.constant 0 : i32
          %lt3A_260 = arith.cmpi slt, %select_n3A_253, %lt3A_259 : i32
          %ne3A_261 = arith.xori %lt3A_258, %lt3A_260 : i1
          %and3A_262 = arith.andi %ne3A_261, %ne3A_256 : i1
          %add3A_263 = arith.addi %rem3A_254, %select_n3A_253 : i32
          %select_n3A_264 = arith.select %and3A_262, %add3A_263, %rem3A_254 : i32
          %mul3A_265 = arith.constant 16 : i32
          %mul3A_266 = arith.muli %select_n3A_264, %mul3A_265 : i32
          %add3A_267 = arith.addi %mul3A_248, %mul3A_266 : i32
          %get3A = arith.index_cast %add3A_267 : i32 to index
          %get3A_268 = tpu.vector_load %arg6[%get3A] {strides = array<i32>} : memref<10240xi32, #tpu.memory_space<vmem>>, vector<16xi32>,
          %get3A_269 = vector.shape_cast %get3A_268 : vector<16xi32> to vector<16xi32>
          %add3A_270 = arith.constant 128 : i32
          %add3A_271 = arith.addi %add3A_267, %add3A_270 : i32
          %get3A_272 = arith.index_cast %add3A_271 : i32 to index
          %get3A_273 = tpu.vector_load %arg6[%get3A_272] {strides = array<i32>} : memref<10240xi32, #tpu.memory_space<vmem>>, vector<16xi32>,
          %get3A_274 = vector.shape_cast %get3A_273 : vector<16xi32> to vector<16xi32>
          %mul3A_275 = arith.constant 16 : i32
          %mul3A_276 = arith.muli %while3A_230, %mul3A_275 : i32
          %add3A_277 = arith.addi %mul3A_2, %mul3A_276 : i32
          %jit3A_278 = arith.constant 16384 : i32
          %div3A_279 = arith.divsi %add3A_277, %jit3A_278 : i32
          %sign3A_280 = arith.constant 0 : i32
          %sign3A_281 = arith.cmpi sgt, %add3A_277, %sign3A_280 : i32
          %sign3A_282 = arith.extui %sign3A_281 : i1 to i32
          %sign3A_283 = arith.constant 0 : i32
          %sign3A_284 = arith.cmpi slt, %add3A_277, %sign3A_283 : i32
          %sign3A_285 = arith.extui %sign3A_284 : i1 to i32
          %sign3A_286 = arith.subi %sign3A_282, %sign3A_285 : i32
          %sign3A_287 = arith.constant 0 : i32
          %sign3A_288 = arith.cmpi sgt, %jit3A_278, %sign3A_287 : i32
          %sign3A_289 = arith.extui %sign3A_288 : i1 to i32
          %sign3A_290 = arith.constant 0 : i32
          %sign3A_291 = arith.cmpi slt, %jit3A_278, %sign3A_290 : i32
          %sign3A_292 = arith.extui %sign3A_291 : i1 to i32
          %sign3A_293 = arith.subi %sign3A_289, %sign3A_292 : i32
          %ne3A_294 = arith.cmpi ne, %sign3A_286, %sign3A_293 : i32
          %rem3A_295 = arith.remsi %add3A_277, %jit3A_278 : i32
          %ne3A_296 = arith.constant 0 : i32
          %ne3A_297 = arith.cmpi ne, %rem3A_295, %ne3A_296 : i32
          %and3A_298 = arith.andi %ne3A_294, %ne3A_297 : i1
          %sub3A_299 = arith.constant 1 : i32
          %sub3A_300 = arith.subi %div3A_279, %sub3A_299 : i32
          %select_n3A_301 = arith.select %and3A_298, %sub3A_300, %div3A_279 : i32
          %mul3A_302 = arith.constant 400 : i32
          %mul3A_303 = arith.muli %select_n3A_301, %mul3A_302 : i32
          %mul3A_304 = arith.constant 20 : i32
          %mul3A_305 = vector.broadcast %mul3A_304 : i32 to vector<16xi32>
          %mul3A_306 = arith.muli %get3A_269, %mul3A_305 : vector<16xi32>
          %add3A_307 = vector.broadcast %mul3A_303 : i32 to vector<16xi32>
          %add3A_308 = arith.addi %add3A_307, %mul3A_306 : vector<16xi32>
          %add3A_309 = arith.addi %add3A_308, %get3A_274 : vector<16xi32>
          %jit3A_310 = arith.constant 8 : i32
          %div3A_311 = arith.divsi %while3A_230, %jit3A_310 : i32
          %sign3A_312 = arith.constant 0 : i32
          %sign3A_313 = arith.cmpi sgt, %while3A_230, %sign3A_312 : i32
          %sign3A_314 = arith.extui %sign3A_313 : i1 to i32
          %sign3A_315 = arith.constant 0 : i32
          %sign3A_316 = arith.cmpi slt, %while3A_230, %sign3A_315 : i32
          %sign3A_317 = arith.extui %sign3A_316 : i1 to i32
          %sign3A_318 = arith.subi %sign3A_314, %sign3A_317 : i32
          %sign3A_319 = arith.constant 0 : i32
          %sign3A_320 = arith.cmpi sgt, %jit3A_310, %sign3A_319 : i32
          %sign3A_321 = arith.extui %sign3A_320 : i1 to i32
          %sign3A_322 = arith.constant 0 : i32
          %sign3A_323 = arith.cmpi slt, %jit3A_310, %sign3A_322 : i32
          %sign3A_324 = arith.extui %sign3A_323 : i1 to i32
          %sign3A_325 = arith.subi %sign3A_321, %sign3A_324 : i32
          %ne3A_326 = arith.cmpi ne, %sign3A_318, %sign3A_325 : i32
          %rem3A_327 = arith.remsi %while3A_230, %jit3A_310 : i32
          %ne3A_328 = arith.constant 0 : i32
          %ne3A_329 = arith.cmpi ne, %rem3A_327, %ne3A_328 : i32
          %and3A_330 = arith.andi %ne3A_326, %ne3A_329 : i1
          %sub3A_331 = arith.constant 1 : i32
          %sub3A_332 = arith.subi %div3A_311, %sub3A_331 : i32
          %select_n3A_333 = arith.select %and3A_330, %sub3A_332, %div3A_311 : i32
          %jit3A_334 = arith.constant 8 : i32
          %eq3A_335 = arith.constant 0 : i32
          %eq3A_336 = arith.cmpi eq, %jit3A_334, %eq3A_335 : i32
          %jit3A_337 = arith.constant 1 : i32
          %select_n3A_338 = arith.select %eq3A_336, %jit3A_337, %jit3A_334 : i32
          %rem3A_339 = arith.remsi %while3A_230, %select_n3A_338 : i32
          %ne3A_340 = arith.constant 0 : i32
          %ne3A_341 = arith.cmpi ne, %rem3A_339, %ne3A_340 : i32
          %lt3A_342 = arith.constant 0 : i32
          %lt3A_343 = arith.cmpi slt, %rem3A_339, %lt3A_342 : i32
          %lt3A_344 = arith.constant 0 : i32
          %lt3A_345 = arith.cmpi slt, %select_n3A_338, %lt3A_344 : i32
          %ne3A_346 = arith.xori %lt3A_343, %lt3A_345 : i1
          %and3A_347 = arith.andi %ne3A_346, %ne3A_341 : i1
          %add3A_348 = arith.addi %rem3A_339, %select_n3A_338 : i32
          %select_n3A_349 = arith.select %and3A_347, %add3A_348, %rem3A_339 : i32
          %mul3A_350 = arith.constant 16 : i32
          %mul3A_351 = arith.muli %select_n3A_349, %mul3A_350 : i32
          %swap3A = arith.index_cast %select_n3A_333 : i32 to index
          %swap3A_352 = arith.index_cast %mul3A_351 : i32 to index
          %swap3A_353 = tpu.vector_load %arg7[%swap3A, %swap3A_352] {strides = array<i32>} : memref<40x128xi32, #tpu.memory_space<vmem>>, vector<1x16xi32>,
          %swap3A_354 = vector.shape_cast %swap3A_353 : vector<1x16xi32> to vector<16xi32>
          %swap3A_355 = vector.shape_cast %add3A_309 : vector<16xi32> to vector<1x16xi32>
          tpu.vector_store %arg7[%swap3A, %swap3A_352], %swap3A_355 {strides = array<i32>} : memref<40x128xi32, #tpu.memory_space<vmem>>, vector<1x16xi32>,
        }
      } else {
      }
      %dma_wait3A_83 = arith.constant 0 : i32
      %dma_wait3A_84 = arith.constant 0 : i32
      %dma_wait3A_85 = tpu.memref_slice %arg7[%dma_wait3A_83, %dma_wait3A_84] : memref<40x128xi32, #tpu.memory_space<vmem>> -> memref<1x128xi32, #tpu.memory_space<vmem>>
      %dma_wait3A_86 = tpu.memref_squeeze %dma_wait3A_85 : memref<1x128xi32, #tpu.memory_space<vmem>> -> memref<128xi32, #tpu.memory_space<vmem>>
      %dma_wait3A_87 = arith.constant 0 : i32
      %dma_wait3A_88 = arith.constant 0 : i32
      %dma_wait3A_89 = tpu.memref_slice %arg5[%dma_wait3A_87, %dma_wait3A_88] : memref<4000x128xf32, #tpu.memory_space<vmem_shared>> -> memref<4000x128xf32, #tpu.memory_space<vmem_shared>>
      tpu.wait_indirect_dma semaphore(%arg13 : memref<!tpu.dma_semaphore, #tpu.memory_space<semaphore_mem>>) src(%dma_wait3A_89 : memref<4000x128xf32, #tpu.memory_space<vmem_shared>>) dst(%arg8 : memref<128x128xf32, #tpu.memory_space<vmem>>)
      %mul3A_90 = arith.constant 128 : i32
      %mul3A_91 = arith.muli %add3A_78, %mul3A_90 : i32
      %add3A_92 = arith.addi %mul3A_2, %mul3A_91 : i32
      %dma_start3A_93 = arith.constant 0 : i32
      %dma_start3A_94 = tpu.memref_slice %arg4[%add3A_92, %dma_start3A_93] : memref<163840x128xf32, #tpu.memory_space<hbm>> -> memref<128x128xf32, #tpu.memory_space<hbm>>
      %dma_start3A_95 = arith.constant 0 : i32
      %dma_start3A_96 = tpu.memref_slice %arg4[%add3A_92, %dma_start3A_95] : memref<163840x128xf32, #tpu.memory_space<hbm>> -> memref<128x128xf32, #tpu.memory_space<hbm>>
      tpu.enqueue_dma source(%arg8 : memref<128x128xf32, #tpu.memory_space<vmem>>) target(%dma_start3A_96 : memref<128x128xf32, #tpu.memory_space<hbm>>) target_semaphore(%arg18 : memref<!tpu.dma_semaphore, #tpu.memory_space<semaphore_mem>>)
      %lt3A_97 = arith.constant 37 : i32
      %lt3A_98 = arith.cmpi slt, %add3A_78, %lt3A_97 : i32
      %convert_element_type3A_99 = arith.extui %lt3A_98 : i1 to i32
      %cond3A_100 = arith.constant 0 : i32
      %cond3A_101 = arith.cmpi ne, %convert_element_type3A_99, %cond3A_100 : i32
      scf.if %cond3A_101 {
        %ge3A = arith.constant 2 : i32
        %ge3A_214 = arith.cmpi sge, %add3A_78, %ge3A : i32
        %convert_element_type3A_215 = arith.extui %ge3A_214 : i1 to i32
        %cond3A_216 = arith.constant 0 : i32
        %cond3A_217 = arith.cmpi ne, %convert_element_type3A_215, %cond3A_216 : i32
        scf.if %cond3A_217 {
          %dma_wait3A_226 = arith.constant 0 : i32
          %dma_wait3A_227 = tpu.memref_slice %arg4[%mul3A_2, %dma_wait3A_226] : memref<163840x128xf32, #tpu.memory_space<hbm>> -> memref<128x128xf32, #tpu.memory_space<hbm>>
          %dma_wait3A_228 = arith.constant 0 : i32
          %dma_wait3A_229 = tpu.memref_slice %arg4[%mul3A_2, %dma_wait3A_228] : memref<163840x128xf32, #tpu.memory_space<hbm>> -> memref<128x128xf32, #tpu.memory_space<hbm>>
          tpu.wait_dma2 semaphore(%arg21 : memref<!tpu.dma_semaphore, #tpu.memory_space<semaphore_mem>>) src(%arg11 : memref<128x128xf32, #tpu.memory_space<vmem>>) dst(%dma_wait3A_229 : memref<128x128xf32, #tpu.memory_space<hbm>>)
        } else {
        }
        %add3A_218 = arith.constant 3 : i32
        %add3A_219 = arith.addi %add3A_78, %add3A_218 : i32
        %dma_start3A_220 = arith.constant 0 : i32
        %dma_start3A_221 = tpu.memref_slice %arg7[%add3A_219, %dma_start3A_220] : memref<40x128xi32, #tpu.memory_space<vmem>> -> memref<1x128xi32, #tpu.memory_space<vmem>>
        %dma_start3A_222 = tpu.memref_squeeze %dma_start3A_221 : memref<1x128xi32, #tpu.memory_space<vmem>> -> memref<128xi32, #tpu.memory_space<vmem>>
        %dma_start3A_223 = arith.constant 0 : i32
        %dma_start3A_224 = arith.constant 0 : i32
        %dma_start3A_225 = tpu.memref_slice %arg5[%dma_start3A_223, %dma_start3A_224] : memref<4000x128xf32, #tpu.memory_space<vmem_shared>> -> memref<4000x128xf32, #tpu.memory_space<vmem_shared>>
        tpu.enqueue_indirect_dma source(%dma_start3A_225 : memref<4000x128xf32, #tpu.memory_space<vmem_shared>>) target(%arg11 : memref<128x128xf32, #tpu.memory_space<vmem>>) offsets(%dma_start3A_222 : memref<128xi32, #tpu.memory_space<vmem>>) semaphore(%arg16 : memref<!tpu.dma_semaphore, #tpu.memory_space<semaphore_mem>>)
      } else {
      }
      %mul3A_102 = arith.constant 5 : i32
      %mul3A_103 = arith.muli %scan3A_74, %mul3A_102 : i32
      %add3A_104 = arith.constant 1 : i32
      %add3A_105 = arith.addi %mul3A_103, %add3A_104 : i32
      %lt3A_106 = arith.constant 37 : i32
      %lt3A_107 = arith.cmpi slt, %add3A_105, %lt3A_106 : i32
      %convert_element_type3A_108 = arith.extui %lt3A_107 : i1 to i32
      %cond3A_109 = arith.constant 0 : i32
      %cond3A_110 = arith.cmpi ne, %convert_element_type3A_108, %cond3A_109 : i32
      scf.if %cond3A_110 {
        %add3A_214 = arith.constant 3 : i32
        %add3A_215 = arith.addi %add3A_105, %add3A_214 : i32
        %mul3A_216 = arith.constant 8 : i32
        %mul3A_217 = arith.muli %add3A_215, %mul3A_216 : i32
        %mul3A_218 = arith.constant 8 : i32
        %mul3A_219 = arith.muli %add3A_215, %mul3A_218 : i32
        %add3A_220 = arith.constant 8 : i32
        %add3A_221 = arith.addi %mul3A_219, %add3A_220 : i32
        %while3A = arith.constant 0 : i32
        %while3A_222 = arith.subi %add3A_221, %mul3A_217 : i32
        %while3A_223 = arith.addi %mul3A_217, %while3A_222 : i32
        %while3A_224 = arith.constant 1 : i32
        %while3A_225 = arith.divsi %while3A_222, %while3A_224 : i32
        %while3A_226 = arith.muli %while3A_225, %while3A_224 : i32
        %while3A_227 = arith.addi %mul3A_217, %while3A_226 : i32
        %while3A_228 = arith.constant 1 : i32
        scf.for %while3A_230 = %mul3A_217 to %while3A_227 step %while3A_228  : i32 {
          %jit3A = arith.constant 8 : i32
          %div3A = arith.divsi %while3A_230, %jit3A : i32
          %sign3A = arith.constant 0 : i32
          %sign3A_231 = arith.cmpi sgt, %while3A_230, %sign3A : i32
          %sign3A_232 = arith.extui %sign3A_231 : i1 to i32
          %sign3A_233 = arith.constant 0 : i32
          %sign3A_234 = arith.cmpi slt, %while3A_230, %sign3A_233 : i32
          %sign3A_235 = arith.extui %sign3A_234 : i1 to i32
          %sign3A_236 = arith.subi %sign3A_232, %sign3A_235 : i32
          %sign3A_237 = arith.constant 0 : i32
          %sign3A_238 = arith.cmpi sgt, %jit3A, %sign3A_237 : i32
          %sign3A_239 = arith.extui %sign3A_238 : i1 to i32
          %sign3A_240 = arith.constant 0 : i32
          %sign3A_241 = arith.cmpi slt, %jit3A, %sign3A_240 : i32
          %sign3A_242 = arith.extui %sign3A_241 : i1 to i32
          %sign3A_243 = arith.subi %sign3A_239, %sign3A_242 : i32
          %ne3A = arith.cmpi ne, %sign3A_236, %sign3A_243 : i32
          %rem3A = arith.remsi %while3A_230, %jit3A : i32
          %ne3A_244 = arith.constant 0 : i32
          %ne3A_245 = arith.cmpi ne, %rem3A, %ne3A_244 : i32
          %and3A = arith.andi %ne3A, %ne3A_245 : i1
          %sub3A = arith.constant 1 : i32
          %sub3A_246 = arith.subi %div3A, %sub3A : i32
          %select_n3A = arith.select %and3A, %sub3A_246, %div3A : i32
          %mul3A_247 = arith.constant 256 : i32
          %mul3A_248 = arith.muli %select_n3A, %mul3A_247 : i32
          %jit3A_249 = arith.constant 8 : i32
          %eq3A_250 = arith.constant 0 : i32
          %eq3A_251 = arith.cmpi eq, %jit3A_249, %eq3A_250 : i32
          %jit3A_252 = arith.constant 1 : i32
          %select_n3A_253 = arith.select %eq3A_251, %jit3A_252, %jit3A_249 : i32
          %rem3A_254 = arith.remsi %while3A_230, %select_n3A_253 : i32
          %ne3A_255 = arith.constant 0 : i32
          %ne3A_256 = arith.cmpi ne, %rem3A_254, %ne3A_255 : i32
          %lt3A_257 = arith.constant 0 : i32
          %lt3A_258 = arith.cmpi slt, %rem3A_254, %lt3A_257 : i32
          %lt3A_259 = arith.constant 0 : i32
          %lt3A_260 = arith.cmpi slt, %select_n3A_253, %lt3A_259 : i32
          %ne3A_261 = arith.xori %lt3A_258, %lt3A_260 : i1
          %and3A_262 = arith.andi %ne3A_261, %ne3A_256 : i1
          %add3A_263 = arith.addi %rem3A_254, %select_n3A_253 : i32
          %select_n3A_264 = arith.select %and3A_262, %add3A_263, %rem3A_254 : i32
          %mul3A_265 = arith.constant 16 : i32
          %mul3A_266 = arith.muli %select_n3A_264, %mul3A_265 : i32
          %add3A_267 = arith.addi %mul3A_248, %mul3A_266 : i32
          %get3A = arith.index_cast %add3A_267 : i32 to index
          %get3A_268 = tpu.vector_load %arg6[%get3A] {strides = array<i32>} : memref<10240xi32, #tpu.memory_space<vmem>>, vector<16xi32>,
          %get3A_269 = vector.shape_cast %get3A_268 : vector<16xi32> to vector<16xi32>
          %add3A_270 = arith.constant 128 : i32
          %add3A_271 = arith.addi %add3A_267, %add3A_270 : i32
          %get3A_272 = arith.index_cast %add3A_271 : i32 to index
          %get3A_273 = tpu.vector_load %arg6[%get3A_272] {strides = array<i32>} : memref<10240xi32, #tpu.memory_space<vmem>>, vector<16xi32>,
          %get3A_274 = vector.shape_cast %get3A_273 : vector<16xi32> to vector<16xi32>
          %mul3A_275 = arith.constant 16 : i32
          %mul3A_276 = arith.muli %while3A_230, %mul3A_275 : i32
          %add3A_277 = arith.addi %mul3A_2, %mul3A_276 : i32
          %jit3A_278 = arith.constant 16384 : i32
          %div3A_279 = arith.divsi %add3A_277, %jit3A_278 : i32
          %sign3A_280 = arith.constant 0 : i32
          %sign3A_281 = arith.cmpi sgt, %add3A_277, %sign3A_280 : i32
          %sign3A_282 = arith.extui %sign3A_281 : i1 to i32
          %sign3A_283 = arith.constant 0 : i32
          %sign3A_284 = arith.cmpi slt, %add3A_277, %sign3A_283 : i32
          %sign3A_285 = arith.extui %sign3A_284 : i1 to i32
          %sign3A_286 = arith.subi %sign3A_282, %sign3A_285 : i32
          %sign3A_287 = arith.constant 0 : i32
          %sign3A_288 = arith.cmpi sgt, %jit3A_278, %sign3A_287 : i32
          %sign3A_289 = arith.extui %sign3A_288 : i1 to i32
          %sign3A_290 = arith.constant 0 : i32
          %sign3A_291 = arith.cmpi slt, %jit3A_278, %sign3A_290 : i32
          %sign3A_292 = arith.extui %sign3A_291 : i1 to i32
          %sign3A_293 = arith.subi %sign3A_289, %sign3A_292 : i32
          %ne3A_294 = arith.cmpi ne, %sign3A_286, %sign3A_293 : i32
          %rem3A_295 = arith.remsi %add3A_277, %jit3A_278 : i32
          %ne3A_296 = arith.constant 0 : i32
          %ne3A_297 = arith.cmpi ne, %rem3A_295, %ne3A_296 : i32
          %and3A_298 = arith.andi %ne3A_294, %ne3A_297 : i1
          %sub3A_299 = arith.constant 1 : i32
          %sub3A_300 = arith.subi %div3A_279, %sub3A_299 : i32
          %select_n3A_301 = arith.select %and3A_298, %sub3A_300, %div3A_279 : i32
          %mul3A_302 = arith.constant 400 : i32
          %mul3A_303 = arith.muli %select_n3A_301, %mul3A_302 : i32
          %mul3A_304 = arith.constant 20 : i32
          %mul3A_305 = vector.broadcast %mul3A_304 : i32 to vector<16xi32>
          %mul3A_306 = arith.muli %get3A_269, %mul3A_305 : vector<16xi32>
          %add3A_307 = vector.broadcast %mul3A_303 : i32 to vector<16xi32>
          %add3A_308 = arith.addi %add3A_307, %mul3A_306 : vector<16xi32>
          %add3A_309 = arith.addi %add3A_308, %get3A_274 : vector<16xi32>
          %jit3A_310 = arith.constant 8 : i32
          %div3A_311 = arith.divsi %while3A_230, %jit3A_310 : i32
          %sign3A_312 = arith.constant 0 : i32
          %sign3A_313 = arith.cmpi sgt, %while3A_230, %sign3A_312 : i32
          %sign3A_314 = arith.extui %sign3A_313 : i1 to i32
          %sign3A_315 = arith.constant 0 : i32
          %sign3A_316 = arith.cmpi slt, %while3A_230, %sign3A_315 : i32
          %sign3A_317 = arith.extui %sign3A_316 : i1 to i32
          %sign3A_318 = arith.subi %sign3A_314, %sign3A_317 : i32
          %sign3A_319 = arith.constant 0 : i32
          %sign3A_320 = arith.cmpi sgt, %jit3A_310, %sign3A_319 : i32
          %sign3A_321 = arith.extui %sign3A_320 : i1 to i32
          %sign3A_322 = arith.constant 0 : i32
          %sign3A_323 = arith.cmpi slt, %jit3A_310, %sign3A_322 : i32
          %sign3A_324 = arith.extui %sign3A_323 : i1 to i32
          %sign3A_325 = arith.subi %sign3A_321, %sign3A_324 : i32
          %ne3A_326 = arith.cmpi ne, %sign3A_318, %sign3A_325 : i32
          %rem3A_327 = arith.remsi %while3A_230, %jit3A_310 : i32
          %ne3A_328 = arith.constant 0 : i32
          %ne3A_329 = arith.cmpi ne, %rem3A_327, %ne3A_328 : i32
          %and3A_330 = arith.andi %ne3A_326, %ne3A_329 : i1
          %sub3A_331 = arith.constant 1 : i32
          %sub3A_332 = arith.subi %div3A_311, %sub3A_331 : i32
          %select_n3A_333 = arith.select %and3A_330, %sub3A_332, %div3A_311 : i32
          %jit3A_334 = arith.constant 8 : i32
          %eq3A_335 = arith.constant 0 : i32
          %eq3A_336 = arith.cmpi eq, %jit3A_334, %eq3A_335 : i32
          %jit3A_337 = arith.constant 1 : i32
          %select_n3A_338 = arith.select %eq3A_336, %jit3A_337, %jit3A_334 : i32
          %rem3A_339 = arith.remsi %while3A_230, %select_n3A_338 : i32
          %ne3A_340 = arith.constant 0 : i32
          %ne3A_341 = arith.cmpi ne, %rem3A_339, %ne3A_340 : i32
          %lt3A_342 = arith.constant 0 : i32
          %lt3A_343 = arith.cmpi slt, %rem3A_339, %lt3A_342 : i32
          %lt3A_344 = arith.constant 0 : i32
          %lt3A_345 = arith.cmpi slt, %select_n3A_338, %lt3A_344 : i32
          %ne3A_346 = arith.xori %lt3A_343, %lt3A_345 : i1
          %and3A_347 = arith.andi %ne3A_346, %ne3A_341 : i1
          %add3A_348 = arith.addi %rem3A_339, %select_n3A_338 : i32
          %select_n3A_349 = arith.select %and3A_347, %add3A_348, %rem3A_339 : i32
          %mul3A_350 = arith.constant 16 : i32
          %mul3A_351 = arith.muli %select_n3A_349, %mul3A_350 : i32
          %swap3A = arith.index_cast %select_n3A_333 : i32 to index
          %swap3A_352 = arith.index_cast %mul3A_351 : i32 to index
          %swap3A_353 = tpu.vector_load %arg7[%swap3A, %swap3A_352] {strides = array<i32>} : memref<40x128xi32, #tpu.memory_space<vmem>>, vector<1x16xi32>,
          %swap3A_354 = vector.shape_cast %swap3A_353 : vector<1x16xi32> to vector<16xi32>
          %swap3A_355 = vector.shape_cast %add3A_309 : vector<16xi32> to vector<1x16xi32>
          tpu.vector_store %arg7[%swap3A, %swap3A_352], %swap3A_355 {strides = array<i32>} : memref<40x128xi32, #tpu.memory_space<vmem>>, vector<1x16xi32>,
        }
        %while3A_229 = arith.constant 1 : i32
        scf.for %while3A_230 = %while3A_227 to %while3A_223 step %while3A_229  : i32 {
          %jit3A = arith.constant 8 : i32
          %div3A = arith.divsi %while3A_230, %jit3A : i32
          %sign3A = arith.constant 0 : i32
          %sign3A_231 = arith.cmpi sgt, %while3A_230, %sign3A : i32
          %sign3A_232 = arith.extui %sign3A_231 : i1 to i32
          %sign3A_233 = arith.constant 0 : i32
          %sign3A_234 = arith.cmpi slt, %while3A_230, %sign3A_233 : i32
          %sign3A_235 = arith.extui %sign3A_234 : i1 to i32
          %sign3A_236 = arith.subi %sign3A_232, %sign3A_235 : i32
          %sign3A_237 = arith.constant 0 : i32
          %sign3A_238 = arith.cmpi sgt, %jit3A, %sign3A_237 : i32
          %sign3A_239 = arith.extui %sign3A_238 : i1 to i32
          %sign3A_240 = arith.constant 0 : i32
          %sign3A_241 = arith.cmpi slt, %jit3A, %sign3A_240 : i32
          %sign3A_242 = arith.extui %sign3A_241 : i1 to i32
          %sign3A_243 = arith.subi %sign3A_239, %sign3A_242 : i32
          %ne3A = arith.cmpi ne, %sign3A_236, %sign3A_243 : i32
          %rem3A = arith.remsi %while3A_230, %jit3A : i32
          %ne3A_244 = arith.constant 0 : i32
          %ne3A_245 = arith.cmpi ne, %rem3A, %ne3A_244 : i32
          %and3A = arith.andi %ne3A, %ne3A_245 : i1
          %sub3A = arith.constant 1 : i32
          %sub3A_246 = arith.subi %div3A, %sub3A : i32
          %select_n3A = arith.select %and3A, %sub3A_246, %div3A : i32
          %mul3A_247 = arith.constant 256 : i32
          %mul3A_248 = arith.muli %select_n3A, %mul3A_247 : i32
          %jit3A_249 = arith.constant 8 : i32
          %eq3A_250 = arith.constant 0 : i32
          %eq3A_251 = arith.cmpi eq, %jit3A_249, %eq3A_250 : i32
          %jit3A_252 = arith.constant 1 : i32
          %select_n3A_253 = arith.select %eq3A_251, %jit3A_252, %jit3A_249 : i32
          %rem3A_254 = arith.remsi %while3A_230, %select_n3A_253 : i32
          %ne3A_255 = arith.constant 0 : i32
          %ne3A_256 = arith.cmpi ne, %rem3A_254, %ne3A_255 : i32
          %lt3A_257 = arith.constant 0 : i32
          %lt3A_258 = arith.cmpi slt, %rem3A_254, %lt3A_257 : i32
          %lt3A_259 = arith.constant 0 : i32
          %lt3A_260 = arith.cmpi slt, %select_n3A_253, %lt3A_259 : i32
          %ne3A_261 = arith.xori %lt3A_258, %lt3A_260 : i1
          %and3A_262 = arith.andi %ne3A_261, %ne3A_256 : i1
          %add3A_263 = arith.addi %rem3A_254, %select_n3A_253 : i32
          %select_n3A_264 = arith.select %and3A_262, %add3A_263, %rem3A_254 : i32
          %mul3A_265 = arith.constant 16 : i32
          %mul3A_266 = arith.muli %select_n3A_264, %mul3A_265 : i32
          %add3A_267 = arith.addi %mul3A_248, %mul3A_266 : i32
          %get3A = arith.index_cast %add3A_267 : i32 to index
          %get3A_268 = tpu.vector_load %arg6[%get3A] {strides = array<i32>} : memref<10240xi32, #tpu.memory_space<vmem>>, vector<16xi32>,
          %get3A_269 = vector.shape_cast %get3A_268 : vector<16xi32> to vector<16xi32>
          %add3A_270 = arith.constant 128 : i32
          %add3A_271 = arith.addi %add3A_267, %add3A_270 : i32
          %get3A_272 = arith.index_cast %add3A_271 : i32 to index
          %get3A_273 = tpu.vector_load %arg6[%get3A_272] {strides = array<i32>} : memref<10240xi32, #tpu.memory_space<vmem>>, vector<16xi32>,
          %get3A_274 = vector.shape_cast %get3A_273 : vector<16xi32> to vector<16xi32>
          %mul3A_275 = arith.constant 16 : i32
          %mul3A_276 = arith.muli %while3A_230, %mul3A_275 : i32
          %add3A_277 = arith.addi %mul3A_2, %mul3A_276 : i32
          %jit3A_278 = arith.constant 16384 : i32
          %div3A_279 = arith.divsi %add3A_277, %jit3A_278 : i32
          %sign3A_280 = arith.constant 0 : i32
          %sign3A_281 = arith.cmpi sgt, %add3A_277, %sign3A_280 : i32
          %sign3A_282 = arith.extui %sign3A_281 : i1 to i32
          %sign3A_283 = arith.constant 0 : i32
          %sign3A_284 = arith.cmpi slt, %add3A_277, %sign3A_283 : i32
          %sign3A_285 = arith.extui %sign3A_284 : i1 to i32
          %sign3A_286 = arith.subi %sign3A_282, %sign3A_285 : i32
          %sign3A_287 = arith.constant 0 : i32
          %sign3A_288 = arith.cmpi sgt, %jit3A_278, %sign3A_287 : i32
          %sign3A_289 = arith.extui %sign3A_288 : i1 to i32
          %sign3A_290 = arith.constant 0 : i32
          %sign3A_291 = arith.cmpi slt, %jit3A_278, %sign3A_290 : i32
          %sign3A_292 = arith.extui %sign3A_291 : i1 to i32
          %sign3A_293 = arith.subi %sign3A_289, %sign3A_292 : i32
          %ne3A_294 = arith.cmpi ne, %sign3A_286, %sign3A_293 : i32
          %rem3A_295 = arith.remsi %add3A_277, %jit3A_278 : i32
          %ne3A_296 = arith.constant 0 : i32
          %ne3A_297 = arith.cmpi ne, %rem3A_295, %ne3A_296 : i32
          %and3A_298 = arith.andi %ne3A_294, %ne3A_297 : i1
          %sub3A_299 = arith.constant 1 : i32
          %sub3A_300 = arith.subi %div3A_279, %sub3A_299 : i32
          %select_n3A_301 = arith.select %and3A_298, %sub3A_300, %div3A_279 : i32
          %mul3A_302 = arith.constant 400 : i32
          %mul3A_303 = arith.muli %select_n3A_301, %mul3A_302 : i32
          %mul3A_304 = arith.constant 20 : i32
          %mul3A_305 = vector.broadcast %mul3A_304 : i32 to vector<16xi32>
          %mul3A_306 = arith.muli %get3A_269, %mul3A_305 : vector<16xi32>
          %add3A_307 = vector.broadcast %mul3A_303 : i32 to vector<16xi32>
          %add3A_308 = arith.addi %add3A_307, %mul3A_306 : vector<16xi32>
          %add3A_309 = arith.addi %add3A_308, %get3A_274 : vector<16xi32>
          %jit3A_310 = arith.constant 8 : i32
          %div3A_311 = arith.divsi %while3A_230, %jit3A_310 : i32
          %sign3A_312 = arith.constant 0 : i32
          %sign3A_313 = arith.cmpi sgt, %while3A_230, %sign3A_312 : i32
          %sign3A_314 = arith.extui %sign3A_313 : i1 to i32
          %sign3A_315 = arith.constant 0 : i32
          %sign3A_316 = arith.cmpi slt, %while3A_230, %sign3A_315 : i32
          %sign3A_317 = arith.extui %sign3A_316 : i1 to i32
          %sign3A_318 = arith.subi %sign3A_314, %sign3A_317 : i32
          %sign3A_319 = arith.constant 0 : i32
          %sign3A_320 = arith.cmpi sgt, %jit3A_310, %sign3A_319 : i32
          %sign3A_321 = arith.extui %sign3A_320 : i1 to i32
          %sign3A_322 = arith.constant 0 : i32
          %sign3A_323 = arith.cmpi slt, %jit3A_310, %sign3A_322 : i32
          %sign3A_324 = arith.extui %sign3A_323 : i1 to i32
          %sign3A_325 = arith.subi %sign3A_321, %sign3A_324 : i32
          %ne3A_326 = arith.cmpi ne, %sign3A_318, %sign3A_325 : i32
          %rem3A_327 = arith.remsi %while3A_230, %jit3A_310 : i32
          %ne3A_328 = arith.constant 0 : i32
          %ne3A_329 = arith.cmpi ne, %rem3A_327, %ne3A_328 : i32
          %and3A_330 = arith.andi %ne3A_326, %ne3A_329 : i1
          %sub3A_331 = arith.constant 1 : i32
          %sub3A_332 = arith.subi %div3A_311, %sub3A_331 : i32
          %select_n3A_333 = arith.select %and3A_330, %sub3A_332, %div3A_311 : i32
          %jit3A_334 = arith.constant 8 : i32
          %eq3A_335 = arith.constant 0 : i32
          %eq3A_336 = arith.cmpi eq, %jit3A_334, %eq3A_335 : i32
          %jit3A_337 = arith.constant 1 : i32
          %select_n3A_338 = arith.select %eq3A_336, %jit3A_337, %jit3A_334 : i32
          %rem3A_339 = arith.remsi %while3A_230, %select_n3A_338 : i32
          %ne3A_340 = arith.constant 0 : i32
          %ne3A_341 = arith.cmpi ne, %rem3A_339, %ne3A_340 : i32
          %lt3A_342 = arith.constant 0 : i32
          %lt3A_343 = arith.cmpi slt, %rem3A_339, %lt3A_342 : i32
          %lt3A_344 = arith.constant 0 : i32
          %lt3A_345 = arith.cmpi slt, %select_n3A_338, %lt3A_344 : i32
          %ne3A_346 = arith.xori %lt3A_343, %lt3A_345 : i1
          %and3A_347 = arith.andi %ne3A_346, %ne3A_341 : i1
          %add3A_348 = arith.addi %rem3A_339, %select_n3A_338 : i32
          %select_n3A_349 = arith.select %and3A_347, %add3A_348, %rem3A_339 : i32
          %mul3A_350 = arith.constant 16 : i32
          %mul3A_351 = arith.muli %select_n3A_349, %mul3A_350 : i32
          %swap3A = arith.index_cast %select_n3A_333 : i32 to index
          %swap3A_352 = arith.index_cast %mul3A_351 : i32 to index
          %swap3A_353 = tpu.vector_load %arg7[%swap3A, %swap3A_352] {strides = array<i32>} : memref<40x128xi32, #tpu.memory_space<vmem>>, vector<1x16xi32>,
          %swap3A_354 = vector.shape_cast %swap3A_353 : vector<1x16xi32> to vector<16xi32>
          %swap3A_355 = vector.shape_cast %add3A_309 : vector<16xi32> to vector<1x16xi32>
          tpu.vector_store %arg7[%swap3A, %swap3A_352], %swap3A_355 {strides = array<i32>} : memref<40x128xi32, #tpu.memory_space<vmem>>, vector<1x16xi32>,
        }
      } else {
      }
      %dma_wait3A_111 = arith.constant 0 : i32
      %dma_wait3A_112 = arith.constant 0 : i32
      %dma_wait3A_113 = tpu.memref_slice %arg7[%dma_wait3A_111, %dma_wait3A_112] : memref<40x128xi32, #tpu.memory_space<vmem>> -> memref<1x128xi32, #tpu.memory_space<vmem>>
      %dma_wait3A_114 = tpu.memref_squeeze %dma_wait3A_113 : memref<1x128xi32, #tpu.memory_space<vmem>> -> memref<128xi32, #tpu.memory_space<vmem>>
      %dma_wait3A_115 = arith.constant 0 : i32
      %dma_wait3A_116 = arith.constant 0 : i32
      %dma_wait3A_117 = tpu.memref_slice %arg5[%dma_wait3A_115, %dma_wait3A_116] : memref<4000x128xf32, #tpu.memory_space<vmem_shared>> -> memref<4000x128xf32, #tpu.memory_space<vmem_shared>>
      tpu.wait_indirect_dma semaphore(%arg14 : memref<!tpu.dma_semaphore, #tpu.memory_space<semaphore_mem>>) src(%dma_wait3A_117 : memref<4000x128xf32, #tpu.memory_space<vmem_shared>>) dst(%arg9 : memref<128x128xf32, #tpu.memory_space<vmem>>)
      %mul3A_118 = arith.constant 128 : i32
      %mul3A_119 = arith.muli %add3A_105, %mul3A_118 : i32
      %add3A_120 = arith.addi %mul3A_2, %mul3A_119 : i32
      %dma_start3A_121 = arith.constant 0 : i32
      %dma_start3A_122 = tpu.memref_slice %arg4[%add3A_120, %dma_start3A_121] : memref<163840x128xf32, #tpu.memory_space<hbm>> -> memref<128x128xf32, #tpu.memory_space<hbm>>
      %dma_start3A_123 = arith.constant 0 : i32
      %dma_start3A_124 = tpu.memref_slice %arg4[%add3A_120, %dma_start3A_123] : memref<163840x128xf32, #tpu.memory_space<hbm>> -> memref<128x128xf32, #tpu.memory_space<hbm>>
      tpu.enqueue_dma source(%arg9 : memref<128x128xf32, #tpu.memory_space<vmem>>) target(%dma_start3A_124 : memref<128x128xf32, #tpu.memory_space<hbm>>) target_semaphore(%arg19 : memref<!tpu.dma_semaphore, #tpu.memory_space<semaphore_mem>>)
      %lt3A_125 = arith.constant 37 : i32
      %lt3A_126 = arith.cmpi slt, %add3A_105, %lt3A_125 : i32
      %convert_element_type3A_127 = arith.extui %lt3A_126 : i1 to i32
      %cond3A_128 = arith.constant 0 : i32
      %cond3A_129 = arith.cmpi ne, %convert_element_type3A_127, %cond3A_128 : i32
      scf.if %cond3A_129 {
        %ge3A = arith.constant 2 : i32
        %ge3A_214 = arith.cmpi sge, %add3A_105, %ge3A : i32
        %convert_element_type3A_215 = arith.extui %ge3A_214 : i1 to i32
        %cond3A_216 = arith.constant 0 : i32
        %cond3A_217 = arith.cmpi ne, %convert_element_type3A_215, %cond3A_216 : i32
        scf.if %cond3A_217 {
          %dma_wait3A_226 = arith.constant 0 : i32
          %dma_wait3A_227 = tpu.memref_slice %arg4[%mul3A_2, %dma_wait3A_226] : memref<163840x128xf32, #tpu.memory_space<hbm>> -> memref<128x128xf32, #tpu.memory_space<hbm>>
          %dma_wait3A_228 = arith.constant 0 : i32
          %dma_wait3A_229 = tpu.memref_slice %arg4[%mul3A_2, %dma_wait3A_228] : memref<163840x128xf32, #tpu.memory_space<hbm>> -> memref<128x128xf32, #tpu.memory_space<hbm>>
          tpu.wait_dma2 semaphore(%arg22 : memref<!tpu.dma_semaphore, #tpu.memory_space<semaphore_mem>>) src(%arg12 : memref<128x128xf32, #tpu.memory_space<vmem>>) dst(%dma_wait3A_229 : memref<128x128xf32, #tpu.memory_space<hbm>>)
        } else {
        }
        %add3A_218 = arith.constant 3 : i32
        %add3A_219 = arith.addi %add3A_105, %add3A_218 : i32
        %dma_start3A_220 = arith.constant 0 : i32
        %dma_start3A_221 = tpu.memref_slice %arg7[%add3A_219, %dma_start3A_220] : memref<40x128xi32, #tpu.memory_space<vmem>> -> memref<1x128xi32, #tpu.memory_space<vmem>>
        %dma_start3A_222 = tpu.memref_squeeze %dma_start3A_221 : memref<1x128xi32, #tpu.memory_space<vmem>> -> memref<128xi32, #tpu.memory_space<vmem>>
        %dma_start3A_223 = arith.constant 0 : i32
        %dma_start3A_224 = arith.constant 0 : i32
        %dma_start3A_225 = tpu.memref_slice %arg5[%dma_start3A_223, %dma_start3A_224] : memref<4000x128xf32, #tpu.memory_space<vmem_shared>> -> memref<4000x128xf32, #tpu.memory_space<vmem_shared>>
        tpu.enqueue_indirect_dma source(%dma_start3A_225 : memref<4000x128xf32, #tpu.memory_space<vmem_shared>>) target(%arg12 : memref<128x128xf32, #tpu.memory_space<vmem>>) offsets(%dma_start3A_222 : memref<128xi32, #tpu.memory_space<vmem>>) semaphore(%arg17 : memref<!tpu.dma_semaphore, #tpu.memory_space<semaphore_mem>>)
      } else {
      }
      %mul3A_130 = arith.constant 5 : i32
      %mul3A_131 = arith.muli %scan3A_74, %mul3A_130 : i32
      %add3A_132 = arith.constant 2 : i32
      %add3A_133 = arith.addi %mul3A_131, %add3A_132 : i32
      %lt3A_134 = arith.constant 37 : i32
      %lt3A_135 = arith.cmpi slt, %add3A_133, %lt3A_134 : i32
      %convert_element_type3A_136 = arith.extui %lt3A_135 : i1 to i32
      %cond3A_137 = arith.constant 0 : i32
      %cond3A_138 = arith.cmpi ne, %convert_element_type3A_136, %cond3A_137 : i32
      scf.if %cond3A_138 {
        %add3A_214 = arith.constant 3 : i32
        %add3A_215 = arith.addi %add3A_133, %add3A_214 : i32
        %mul3A_216 = arith.constant 8 : i32
        %mul3A_217 = arith.muli %add3A_215, %mul3A_216 : i32
        %mul3A_218 = arith.constant 8 : i32
        %mul3A_219 = arith.muli %add3A_215, %mul3A_218 : i32
        %add3A_220 = arith.constant 8 : i32
        %add3A_221 = arith.addi %mul3A_219, %add3A_220 : i32
        %while3A = arith.constant 0 : i32
        %while3A_222 = arith.subi %add3A_221, %mul3A_217 : i32
        %while3A_223 = arith.addi %mul3A_217, %while3A_222 : i32
        %while3A_224 = arith.constant 1 : i32
        %while3A_225 = arith.divsi %while3A_222, %while3A_224 : i32
        %while3A_226 = arith.muli %while3A_225, %while3A_224 : i32
        %while3A_227 = arith.addi %mul3A_217, %while3A_226 : i32
        %while3A_228 = arith.constant 1 : i32
        scf.for %while3A_230 = %mul3A_217 to %while3A_227 step %while3A_228  : i32 {
          %jit3A = arith.constant 8 : i32
          %div3A = arith.divsi %while3A_230, %jit3A : i32
          %sign3A = arith.constant 0 : i32
          %sign3A_231 = arith.cmpi sgt, %while3A_230, %sign3A : i32
          %sign3A_232 = arith.extui %sign3A_231 : i1 to i32
          %sign3A_233 = arith.constant 0 : i32
          %sign3A_234 = arith.cmpi slt, %while3A_230, %sign3A_233 : i32
          %sign3A_235 = arith.extui %sign3A_234 : i1 to i32
          %sign3A_236 = arith.subi %sign3A_232, %sign3A_235 : i32
          %sign3A_237 = arith.constant 0 : i32
          %sign3A_238 = arith.cmpi sgt, %jit3A, %sign3A_237 : i32
          %sign3A_239 = arith.extui %sign3A_238 : i1 to i32
          %sign3A_240 = arith.constant 0 : i32
          %sign3A_241 = arith.cmpi slt, %jit3A, %sign3A_240 : i32
          %sign3A_242 = arith.extui %sign3A_241 : i1 to i32
          %sign3A_243 = arith.subi %sign3A_239, %sign3A_242 : i32
          %ne3A = arith.cmpi ne, %sign3A_236, %sign3A_243 : i32
          %rem3A = arith.remsi %while3A_230, %jit3A : i32
          %ne3A_244 = arith.constant 0 : i32
          %ne3A_245 = arith.cmpi ne, %rem3A, %ne3A_244 : i32
          %and3A = arith.andi %ne3A, %ne3A_245 : i1
          %sub3A = arith.constant 1 : i32
          %sub3A_246 = arith.subi %div3A, %sub3A : i32
          %select_n3A = arith.select %and3A, %sub3A_246, %div3A : i32
          %mul3A_247 = arith.constant 256 : i32
          %mul3A_248 = arith.muli %select_n3A, %mul3A_247 : i32
          %jit3A_249 = arith.constant 8 : i32
          %eq3A_250 = arith.constant 0 : i32
          %eq3A_251 = arith.cmpi eq, %jit3A_249, %eq3A_250 : i32
          %jit3A_252 = arith.constant 1 : i32
          %select_n3A_253 = arith.select %eq3A_251, %jit3A_252, %jit3A_249 : i32
          %rem3A_254 = arith.remsi %while3A_230, %select_n3A_253 : i32
          %ne3A_255 = arith.constant 0 : i32
          %ne3A_256 = arith.cmpi ne, %rem3A_254, %ne3A_255 : i32
          %lt3A_257 = arith.constant 0 : i32
          %lt3A_258 = arith.cmpi slt, %rem3A_254, %lt3A_257 : i32
          %lt3A_259 = arith.constant 0 : i32
          %lt3A_260 = arith.cmpi slt, %select_n3A_253, %lt3A_259 : i32
          %ne3A_261 = arith.xori %lt3A_258, %lt3A_260 : i1
          %and3A_262 = arith.andi %ne3A_261, %ne3A_256 : i1
          %add3A_263 = arith.addi %rem3A_254, %select_n3A_253 : i32
          %select_n3A_264 = arith.select %and3A_262, %add3A_263, %rem3A_254 : i32
          %mul3A_265 = arith.constant 16 : i32
          %mul3A_266 = arith.muli %select_n3A_264, %mul3A_265 : i32
          %add3A_267 = arith.addi %mul3A_248, %mul3A_266 : i32
          %get3A = arith.index_cast %add3A_267 : i32 to index
          %get3A_268 = tpu.vector_load %arg6[%get3A] {strides = array<i32>} : memref<10240xi32, #tpu.memory_space<vmem>>, vector<16xi32>,
          %get3A_269 = vector.shape_cast %get3A_268 : vector<16xi32> to vector<16xi32>
          %add3A_270 = arith.constant 128 : i32
          %add3A_271 = arith.addi %add3A_267, %add3A_270 : i32
          %get3A_272 = arith.index_cast %add3A_271 : i32 to index
          %get3A_273 = tpu.vector_load %arg6[%get3A_272] {strides = array<i32>} : memref<10240xi32, #tpu.memory_space<vmem>>, vector<16xi32>,
          %get3A_274 = vector.shape_cast %get3A_273 : vector<16xi32> to vector<16xi32>
          %mul3A_275 = arith.constant 16 : i32
          %mul3A_276 = arith.muli %while3A_230, %mul3A_275 : i32
          %add3A_277 = arith.addi %mul3A_2, %mul3A_276 : i32
          %jit3A_278 = arith.constant 16384 : i32
          %div3A_279 = arith.divsi %add3A_277, %jit3A_278 : i32
          %sign3A_280 = arith.constant 0 : i32
          %sign3A_281 = arith.cmpi sgt, %add3A_277, %sign3A_280 : i32
          %sign3A_282 = arith.extui %sign3A_281 : i1 to i32
          %sign3A_283 = arith.constant 0 : i32
          %sign3A_284 = arith.cmpi slt, %add3A_277, %sign3A_283 : i32
          %sign3A_285 = arith.extui %sign3A_284 : i1 to i32
          %sign3A_286 = arith.subi %sign3A_282, %sign3A_285 : i32
          %sign3A_287 = arith.constant 0 : i32
          %sign3A_288 = arith.cmpi sgt, %jit3A_278, %sign3A_287 : i32
          %sign3A_289 = arith.extui %sign3A_288 : i1 to i32
          %sign3A_290 = arith.constant 0 : i32
          %sign3A_291 = arith.cmpi slt, %jit3A_278, %sign3A_290 : i32
          %sign3A_292 = arith.extui %sign3A_291 : i1 to i32
          %sign3A_293 = arith.subi %sign3A_289, %sign3A_292 : i32
          %ne3A_294 = arith.cmpi ne, %sign3A_286, %sign3A_293 : i32
          %rem3A_295 = arith.remsi %add3A_277, %jit3A_278 : i32
          %ne3A_296 = arith.constant 0 : i32
          %ne3A_297 = arith.cmpi ne, %rem3A_295, %ne3A_296 : i32
          %and3A_298 = arith.andi %ne3A_294, %ne3A_297 : i1
          %sub3A_299 = arith.constant 1 : i32
          %sub3A_300 = arith.subi %div3A_279, %sub3A_299 : i32
          %select_n3A_301 = arith.select %and3A_298, %sub3A_300, %div3A_279 : i32
          %mul3A_302 = arith.constant 400 : i32
          %mul3A_303 = arith.muli %select_n3A_301, %mul3A_302 : i32
          %mul3A_304 = arith.constant 20 : i32
          %mul3A_305 = vector.broadcast %mul3A_304 : i32 to vector<16xi32>
          %mul3A_306 = arith.muli %get3A_269, %mul3A_305 : vector<16xi32>
          %add3A_307 = vector.broadcast %mul3A_303 : i32 to vector<16xi32>
          %add3A_308 = arith.addi %add3A_307, %mul3A_306 : vector<16xi32>
          %add3A_309 = arith.addi %add3A_308, %get3A_274 : vector<16xi32>
          %jit3A_310 = arith.constant 8 : i32
          %div3A_311 = arith.divsi %while3A_230, %jit3A_310 : i32
          %sign3A_312 = arith.constant 0 : i32
          %sign3A_313 = arith.cmpi sgt, %while3A_230, %sign3A_312 : i32
          %sign3A_314 = arith.extui %sign3A_313 : i1 to i32
          %sign3A_315 = arith.constant 0 : i32
          %sign3A_316 = arith.cmpi slt, %while3A_230, %sign3A_315 : i32
          %sign3A_317 = arith.extui %sign3A_316 : i1 to i32
          %sign3A_318 = arith.subi %sign3A_314, %sign3A_317 : i32
          %sign3A_319 = arith.constant 0 : i32
          %sign3A_320 = arith.cmpi sgt, %jit3A_310, %sign3A_319 : i32
          %sign3A_321 = arith.extui %sign3A_320 : i1 to i32
          %sign3A_322 = arith.constant 0 : i32
          %sign3A_323 = arith.cmpi slt, %jit3A_310, %sign3A_322 : i32
          %sign3A_324 = arith.extui %sign3A_323 : i1 to i32
          %sign3A_325 = arith.subi %sign3A_321, %sign3A_324 : i32
          %ne3A_326 = arith.cmpi ne, %sign3A_318, %sign3A_325 : i32
          %rem3A_327 = arith.remsi %while3A_230, %jit3A_310 : i32
          %ne3A_328 = arith.constant 0 : i32
          %ne3A_329 = arith.cmpi ne, %rem3A_327, %ne3A_328 : i32
          %and3A_330 = arith.andi %ne3A_326, %ne3A_329 : i1
          %sub3A_331 = arith.constant 1 : i32
          %sub3A_332 = arith.subi %div3A_311, %sub3A_331 : i32
          %select_n3A_333 = arith.select %and3A_330, %sub3A_332, %div3A_311 : i32
          %jit3A_334 = arith.constant 8 : i32
          %eq3A_335 = arith.constant 0 : i32
          %eq3A_336 = arith.cmpi eq, %jit3A_334, %eq3A_335 : i32
          %jit3A_337 = arith.constant 1 : i32
          %select_n3A_338 = arith.select %eq3A_336, %jit3A_337, %jit3A_334 : i32
          %rem3A_339 = arith.remsi %while3A_230, %select_n3A_338 : i32
          %ne3A_340 = arith.constant 0 : i32
          %ne3A_341 = arith.cmpi ne, %rem3A_339, %ne3A_340 : i32
          %lt3A_342 = arith.constant 0 : i32
          %lt3A_343 = arith.cmpi slt, %rem3A_339, %lt3A_342 : i32
          %lt3A_344 = arith.constant 0 : i32
          %lt3A_345 = arith.cmpi slt, %select_n3A_338, %lt3A_344 : i32
          %ne3A_346 = arith.xori %lt3A_343, %lt3A_345 : i1
          %and3A_347 = arith.andi %ne3A_346, %ne3A_341 : i1
          %add3A_348 = arith.addi %rem3A_339, %select_n3A_338 : i32
          %select_n3A_349 = arith.select %and3A_347, %add3A_348, %rem3A_339 : i32
          %mul3A_350 = arith.constant 16 : i32
          %mul3A_351 = arith.muli %select_n3A_349, %mul3A_350 : i32
          %swap3A = arith.index_cast %select_n3A_333 : i32 to index
          %swap3A_352 = arith.index_cast %mul3A_351 : i32 to index
          %swap3A_353 = tpu.vector_load %arg7[%swap3A, %swap3A_352] {strides = array<i32>} : memref<40x128xi32, #tpu.memory_space<vmem>>, vector<1x16xi32>,
          %swap3A_354 = vector.shape_cast %swap3A_353 : vector<1x16xi32> to vector<16xi32>
          %swap3A_355 = vector.shape_cast %add3A_309 : vector<16xi32> to vector<1x16xi32>
          tpu.vector_store %arg7[%swap3A, %swap3A_352], %swap3A_355 {strides = array<i32>} : memref<40x128xi32, #tpu.memory_space<vmem>>, vector<1x16xi32>,
        }
        %while3A_229 = arith.constant 1 : i32
        scf.for %while3A_230 = %while3A_227 to %while3A_223 step %while3A_229  : i32 {
          %jit3A = arith.constant 8 : i32
          %div3A = arith.divsi %while3A_230, %jit3A : i32
          %sign3A = arith.constant 0 : i32
          %sign3A_231 = arith.cmpi sgt, %while3A_230, %sign3A : i32
          %sign3A_232 = arith.extui %sign3A_231 : i1 to i32
          %sign3A_233 = arith.constant 0 : i32
          %sign3A_234 = arith.cmpi slt, %while3A_230, %sign3A_233 : i32
          %sign3A_235 = arith.extui %sign3A_234 : i1 to i32
          %sign3A_236 = arith.subi %sign3A_232, %sign3A_235 : i32
          %sign3A_237 = arith.constant 0 : i32
          %sign3A_238 = arith.cmpi sgt, %jit3A, %sign3A_237 : i32
          %sign3A_239 = arith.extui %sign3A_238 : i1 to i32
          %sign3A_240 = arith.constant 0 : i32
          %sign3A_241 = arith.cmpi slt, %jit3A, %sign3A_240 : i32
          %sign3A_242 = arith.extui %sign3A_241 : i1 to i32
          %sign3A_243 = arith.subi %sign3A_239, %sign3A_242 : i32
          %ne3A = arith.cmpi ne, %sign3A_236, %sign3A_243 : i32
          %rem3A = arith.remsi %while3A_230, %jit3A : i32
          %ne3A_244 = arith.constant 0 : i32
          %ne3A_245 = arith.cmpi ne, %rem3A, %ne3A_244 : i32
          %and3A = arith.andi %ne3A, %ne3A_245 : i1
          %sub3A = arith.constant 1 : i32
          %sub3A_246 = arith.subi %div3A, %sub3A : i32
          %select_n3A = arith.select %and3A, %sub3A_246, %div3A : i32
          %mul3A_247 = arith.constant 256 : i32
          %mul3A_248 = arith.muli %select_n3A, %mul3A_247 : i32
          %jit3A_249 = arith.constant 8 : i32
          %eq3A_250 = arith.constant 0 : i32
          %eq3A_251 = arith.cmpi eq, %jit3A_249, %eq3A_250 : i32
          %jit3A_252 = arith.constant 1 : i32
          %select_n3A_253 = arith.select %eq3A_251, %jit3A_252, %jit3A_249 : i32
          %rem3A_254 = arith.remsi %while3A_230, %select_n3A_253 : i32
          %ne3A_255 = arith.constant 0 : i32
          %ne3A_256 = arith.cmpi ne, %rem3A_254, %ne3A_255 : i32
          %lt3A_257 = arith.constant 0 : i32
          %lt3A_258 = arith.cmpi slt, %rem3A_254, %lt3A_257 : i32
          %lt3A_259 = arith.constant 0 : i32
          %lt3A_260 = arith.cmpi slt, %select_n3A_253, %lt3A_259 : i32
          %ne3A_261 = arith.xori %lt3A_258, %lt3A_260 : i1
          %and3A_262 = arith.andi %ne3A_261, %ne3A_256 : i1
          %add3A_263 = arith.addi %rem3A_254, %select_n3A_253 : i32
          %select_n3A_264 = arith.select %and3A_262, %add3A_263, %rem3A_254 : i32
          %mul3A_265 = arith.constant 16 : i32
          %mul3A_266 = arith.muli %select_n3A_264, %mul3A_265 : i32
          %add3A_267 = arith.addi %mul3A_248, %mul3A_266 : i32
          %get3A = arith.index_cast %add3A_267 : i32 to index
          %get3A_268 = tpu.vector_load %arg6[%get3A] {strides = array<i32>} : memref<10240xi32, #tpu.memory_space<vmem>>, vector<16xi32>,
          %get3A_269 = vector.shape_cast %get3A_268 : vector<16xi32> to vector<16xi32>
          %add3A_270 = arith.constant 128 : i32
          %add3A_271 = arith.addi %add3A_267, %add3A_270 : i32
          %get3A_272 = arith.index_cast %add3A_271 : i32 to index
          %get3A_273 = tpu.vector_load %arg6[%get3A_272] {strides = array<i32>} : memref<10240xi32, #tpu.memory_space<vmem>>, vector<16xi32>,
          %get3A_274 = vector.shape_cast %get3A_273 : vector<16xi32> to vector<16xi32>
          %mul3A_275 = arith.constant 16 : i32
          %mul3A_276 = arith.muli %while3A_230, %mul3A_275 : i32
          %add3A_277 = arith.addi %mul3A_2, %mul3A_276 : i32
          %jit3A_278 = arith.constant 16384 : i32
          %div3A_279 = arith.divsi %add3A_277, %jit3A_278 : i32
          %sign3A_280 = arith.constant 0 : i32
          %sign3A_281 = arith.cmpi sgt, %add3A_277, %sign3A_280 : i32
          %sign3A_282 = arith.extui %sign3A_281 : i1 to i32
          %sign3A_283 = arith.constant 0 : i32
          %sign3A_284 = arith.cmpi slt, %add3A_277, %sign3A_283 : i32
          %sign3A_285 = arith.extui %sign3A_284 : i1 to i32
          %sign3A_286 = arith.subi %sign3A_282, %sign3A_285 : i32
          %sign3A_287 = arith.constant 0 : i32
          %sign3A_288 = arith.cmpi sgt, %jit3A_278, %sign3A_287 : i32
          %sign3A_289 = arith.extui %sign3A_288 : i1 to i32
          %sign3A_290 = arith.constant 0 : i32
          %sign3A_291 = arith.cmpi slt, %jit3A_278, %sign3A_290 : i32
          %sign3A_292 = arith.extui %sign3A_291 : i1 to i32
          %sign3A_293 = arith.subi %sign3A_289, %sign3A_292 : i32
          %ne3A_294 = arith.cmpi ne, %sign3A_286, %sign3A_293 : i32
          %rem3A_295 = arith.remsi %add3A_277, %jit3A_278 : i32
          %ne3A_296 = arith.constant 0 : i32
          %ne3A_297 = arith.cmpi ne, %rem3A_295, %ne3A_296 : i32
          %and3A_298 = arith.andi %ne3A_294, %ne3A_297 : i1
          %sub3A_299 = arith.constant 1 : i32
          %sub3A_300 = arith.subi %div3A_279, %sub3A_299 : i32
          %select_n3A_301 = arith.select %and3A_298, %sub3A_300, %div3A_279 : i32
          %mul3A_302 = arith.constant 400 : i32
          %mul3A_303 = arith.muli %select_n3A_301, %mul3A_302 : i32
          %mul3A_304 = arith.constant 20 : i32
          %mul3A_305 = vector.broadcast %mul3A_304 : i32 to vector<16xi32>
          %mul3A_306 = arith.muli %get3A_269, %mul3A_305 : vector<16xi32>
          %add3A_307 = vector.broadcast %mul3A_303 : i32 to vector<16xi32>
          %add3A_308 = arith.addi %add3A_307, %mul3A_306 : vector<16xi32>
          %add3A_309 = arith.addi %add3A_308, %get3A_274 : vector<16xi32>
          %jit3A_310 = arith.constant 8 : i32
          %div3A_311 = arith.divsi %while3A_230, %jit3A_310 : i32
          %sign3A_312 = arith.constant 0 : i32
          %sign3A_313 = arith.cmpi sgt, %while3A_230, %sign3A_312 : i32
          %sign3A_314 = arith.extui %sign3A_313 : i1 to i32
          %sign3A_315 = arith.constant 0 : i32
          %sign3A_316 = arith.cmpi slt, %while3A_230, %sign3A_315 : i32
          %sign3A_317 = arith.extui %sign3A_316 : i1 to i32
          %sign3A_318 = arith.subi %sign3A_314, %sign3A_317 : i32
          %sign3A_319 = arith.constant 0 : i32
          %sign3A_320 = arith.cmpi sgt, %jit3A_310, %sign3A_319 : i32
          %sign3A_321 = arith.extui %sign3A_320 : i1 to i32
          %sign3A_322 = arith.constant 0 : i32
          %sign3A_323 = arith.cmpi slt, %jit3A_310, %sign3A_322 : i32
          %sign3A_324 = arith.extui %sign3A_323 : i1 to i32
          %sign3A_325 = arith.subi %sign3A_321, %sign3A_324 : i32
          %ne3A_326 = arith.cmpi ne, %sign3A_318, %sign3A_325 : i32
          %rem3A_327 = arith.remsi %while3A_230, %jit3A_310 : i32
          %ne3A_328 = arith.constant 0 : i32
          %ne3A_329 = arith.cmpi ne, %rem3A_327, %ne3A_328 : i32
          %and3A_330 = arith.andi %ne3A_326, %ne3A_329 : i1
          %sub3A_331 = arith.constant 1 : i32
          %sub3A_332 = arith.subi %div3A_311, %sub3A_331 : i32
          %select_n3A_333 = arith.select %and3A_330, %sub3A_332, %div3A_311 : i32
          %jit3A_334 = arith.constant 8 : i32
          %eq3A_335 = arith.constant 0 : i32
          %eq3A_336 = arith.cmpi eq, %jit3A_334, %eq3A_335 : i32
          %jit3A_337 = arith.constant 1 : i32
          %select_n3A_338 = arith.select %eq3A_336, %jit3A_337, %jit3A_334 : i32
          %rem3A_339 = arith.remsi %while3A_230, %select_n3A_338 : i32
          %ne3A_340 = arith.constant 0 : i32
          %ne3A_341 = arith.cmpi ne, %rem3A_339, %ne3A_340 : i32
          %lt3A_342 = arith.constant 0 : i32
          %lt3A_343 = arith.cmpi slt, %rem3A_339, %lt3A_342 : i32
          %lt3A_344 = arith.constant 0 : i32
          %lt3A_345 = arith.cmpi slt, %select_n3A_338, %lt3A_344 : i32
          %ne3A_346 = arith.xori %lt3A_343, %lt3A_345 : i1
          %and3A_347 = arith.andi %ne3A_346, %ne3A_341 : i1
          %add3A_348 = arith.addi %rem3A_339, %select_n3A_338 : i32
          %select_n3A_349 = arith.select %and3A_347, %add3A_348, %rem3A_339 : i32
          %mul3A_350 = arith.constant 16 : i32
          %mul3A_351 = arith.muli %select_n3A_349, %mul3A_350 : i32
          %swap3A = arith.index_cast %select_n3A_333 : i32 to index
          %swap3A_352 = arith.index_cast %mul3A_351 : i32 to index
          %swap3A_353 = tpu.vector_load %arg7[%swap3A, %swap3A_352] {strides = array<i32>} : memref<40x128xi32, #tpu.memory_space<vmem>>, vector<1x16xi32>,
          %swap3A_354 = vector.shape_cast %swap3A_353 : vector<1x16xi32> to vector<16xi32>
          %swap3A_355 = vector.shape_cast %add3A_309 : vector<16xi32> to vector<1x16xi32>
          tpu.vector_store %arg7[%swap3A, %swap3A_352], %swap3A_355 {strides = array<i32>} : memref<40x128xi32, #tpu.memory_space<vmem>>, vector<1x16xi32>,
        }
      } else {
      }
      %dma_wait3A_139 = arith.constant 0 : i32
      %dma_wait3A_140 = arith.constant 0 : i32
      %dma_wait3A_141 = tpu.memref_slice %arg7[%dma_wait3A_139, %dma_wait3A_140] : memref<40x128xi32, #tpu.memory_space<vmem>> -> memref<1x128xi32, #tpu.memory_space<vmem>>
      %dma_wait3A_142 = tpu.memref_squeeze %dma_wait3A_141 : memref<1x128xi32, #tpu.memory_space<vmem>> -> memref<128xi32, #tpu.memory_space<vmem>>
      %dma_wait3A_143 = arith.constant 0 : i32
      %dma_wait3A_144 = arith.constant 0 : i32
      %dma_wait3A_145 = tpu.memref_slice %arg5[%dma_wait3A_143, %dma_wait3A_144] : memref<4000x128xf32, #tpu.memory_space<vmem_shared>> -> memref<4000x128xf32, #tpu.memory_space<vmem_shared>>
      tpu.wait_indirect_dma semaphore(%arg15 : memref<!tpu.dma_semaphore, #tpu.memory_space<semaphore_mem>>) src(%dma_wait3A_145 : memref<4000x128xf32, #tpu.memory_space<vmem_shared>>) dst(%arg10 : memref<128x128xf32, #tpu.memory_space<vmem>>)
      %mul3A_146 = arith.constant 128 : i32
      %mul3A_147 = arith.muli %add3A_133, %mul3A_146 : i32
      %add3A_148 = arith.addi %mul3A_2, %mul3A_147 : i32
      %dma_start3A_149 = arith.constant 0 : i32
      %dma_start3A_150 = tpu.memref_slice %arg4[%add3A_148, %dma_start3A_149] : memref<163840x128xf32, #tpu.memory_space<hbm>> -> memref<128x128xf32, #tpu.memory_space<hbm>>
      %dma_start3A_151 = arith.constant 0 : i32
      %dma_start3A_152 = tpu.memref_slice %arg4[%add3A_148, %dma_start3A_151] : memref<163840x128xf32, #tpu.memory_space<hbm>> -> memref<128x128xf32, #tpu.memory_space<hbm>>
      tpu.enqueue_dma source(%arg10 : memref<128x128xf32, #tpu.memory_space<vmem>>) target(%dma_start3A_152 : memref<128x128xf32, #tpu.memory_space<hbm>>) target_semaphore(%arg20 : memref<!tpu.dma_semaphore, #tpu.memory_space<semaphore_mem>>)
      %lt3A_153 = arith.constant 37 : i32
      %lt3A_154 = arith.cmpi slt, %add3A_133, %lt3A_153 : i32
      %convert_element_type3A_155 = arith.extui %lt3A_154 : i1 to i32
      %cond3A_156 = arith.constant 0 : i32
      %cond3A_157 = arith.cmpi ne, %convert_element_type3A_155, %cond3A_156 : i32
      scf.if %cond3A_157 {
        %ge3A = arith.constant 2 : i32
        %ge3A_214 = arith.cmpi sge, %add3A_133, %ge3A : i32
        %convert_element_type3A_215 = arith.extui %ge3A_214 : i1 to i32
        %cond3A_216 = arith.constant 0 : i32
        %cond3A_217 = arith.cmpi ne, %convert_element_type3A_215, %cond3A_216 : i32
        scf.if %cond3A_217 {
          %dma_wait3A_226 = arith.constant 0 : i32
          %dma_wait3A_227 = tpu.memref_slice %arg4[%mul3A_2, %dma_wait3A_226] : memref<163840x128xf32, #tpu.memory_space<hbm>> -> memref<128x128xf32, #tpu.memory_space<hbm>>
          %dma_wait3A_228 = arith.constant 0 : i32
          %dma_wait3A_229 = tpu.memref_slice %arg4[%mul3A_2, %dma_wait3A_228] : memref<163840x128xf32, #tpu.memory_space<hbm>> -> memref<128x128xf32, #tpu.memory_space<hbm>>
          tpu.wait_dma2 semaphore(%arg18 : memref<!tpu.dma_semaphore, #tpu.memory_space<semaphore_mem>>) src(%arg8 : memref<128x128xf32, #tpu.memory_space<vmem>>) dst(%dma_wait3A_229 : memref<128x128xf32, #tpu.memory_space<hbm>>)
        } else {
        }
        %add3A_218 = arith.constant 3 : i32
        %add3A_219 = arith.addi %add3A_133, %add3A_218 : i32
        %dma_start3A_220 = arith.constant 0 : i32
        %dma_start3A_221 = tpu.memref_slice %arg7[%add3A_219, %dma_start3A_220] : memref<40x128xi32, #tpu.memory_space<vmem>> -> memref<1x128xi32, #tpu.memory_space<vmem>>
        %dma_start3A_222 = tpu.memref_squeeze %dma_start3A_221 : memref<1x128xi32, #tpu.memory_space<vmem>> -> memref<128xi32, #tpu.memory_space<vmem>>
        %dma_start3A_223 = arith.constant 0 : i32
        %dma_start3A_224 = arith.constant 0 : i32
        %dma_start3A_225 = tpu.memref_slice %arg5[%dma_start3A_223, %dma_start3A_224] : memref<4000x128xf32, #tpu.memory_space<vmem_shared>> -> memref<4000x128xf32, #tpu.memory_space<vmem_shared>>
        tpu.enqueue_indirect_dma source(%dma_start3A_225 : memref<4000x128xf32, #tpu.memory_space<vmem_shared>>) target(%arg8 : memref<128x128xf32, #tpu.memory_space<vmem>>) offsets(%dma_start3A_222 : memref<128xi32, #tpu.memory_space<vmem>>) semaphore(%arg13 : memref<!tpu.dma_semaphore, #tpu.memory_space<semaphore_mem>>)
      } else {
      }
      %mul3A_158 = arith.constant 5 : i32
      %mul3A_159 = arith.muli %scan3A_74, %mul3A_158 : i32
      %add3A_160 = arith.constant 3 : i32
      %add3A_161 = arith.addi %mul3A_159, %add3A_160 : i32
      %lt3A_162 = arith.constant 37 : i32
      %lt3A_163 = arith.cmpi slt, %add3A_161, %lt3A_162 : i32
      %convert_element_type3A_164 = arith.extui %lt3A_163 : i1 to i32
      %cond3A_165 = arith.constant 0 : i32
      %cond3A_166 = arith.cmpi ne, %convert_element_type3A_164, %cond3A_165 : i32
      scf.if %cond3A_166 {
        %add3A_214 = arith.constant 3 : i32
        %add3A_215 = arith.addi %add3A_161, %add3A_214 : i32
        %mul3A_216 = arith.constant 8 : i32
        %mul3A_217 = arith.muli %add3A_215, %mul3A_216 : i32
        %mul3A_218 = arith.constant 8 : i32
        %mul3A_219 = arith.muli %add3A_215, %mul3A_218 : i32
        %add3A_220 = arith.constant 8 : i32
        %add3A_221 = arith.addi %mul3A_219, %add3A_220 : i32
        %while3A = arith.constant 0 : i32
        %while3A_222 = arith.subi %add3A_221, %mul3A_217 : i32
        %while3A_223 = arith.addi %mul3A_217, %while3A_222 : i32
        %while3A_224 = arith.constant 1 : i32
        %while3A_225 = arith.divsi %while3A_222, %while3A_224 : i32
        %while3A_226 = arith.muli %while3A_225, %while3A_224 : i32
        %while3A_227 = arith.addi %mul3A_217, %while3A_226 : i32
        %while3A_228 = arith.constant 1 : i32
        scf.for %while3A_230 = %mul3A_217 to %while3A_227 step %while3A_228  : i32 {
          %jit3A = arith.constant 8 : i32
          %div3A = arith.divsi %while3A_230, %jit3A : i32
          %sign3A = arith.constant 0 : i32
          %sign3A_231 = arith.cmpi sgt, %while3A_230, %sign3A : i32
          %sign3A_232 = arith.extui %sign3A_231 : i1 to i32
          %sign3A_233 = arith.constant 0 : i32
          %sign3A_234 = arith.cmpi slt, %while3A_230, %sign3A_233 : i32
          %sign3A_235 = arith.extui %sign3A_234 : i1 to i32
          %sign3A_236 = arith.subi %sign3A_232, %sign3A_235 : i32
          %sign3A_237 = arith.constant 0 : i32
          %sign3A_238 = arith.cmpi sgt, %jit3A, %sign3A_237 : i32
          %sign3A_239 = arith.extui %sign3A_238 : i1 to i32
          %sign3A_240 = arith.constant 0 : i32
          %sign3A_241 = arith.cmpi slt, %jit3A, %sign3A_240 : i32
          %sign3A_242 = arith.extui %sign3A_241 : i1 to i32
          %sign3A_243 = arith.subi %sign3A_239, %sign3A_242 : i32
          %ne3A = arith.cmpi ne, %sign3A_236, %sign3A_243 : i32
          %rem3A = arith.remsi %while3A_230, %jit3A : i32
          %ne3A_244 = arith.constant 0 : i32
          %ne3A_245 = arith.cmpi ne, %rem3A, %ne3A_244 : i32
          %and3A = arith.andi %ne3A, %ne3A_245 : i1
          %sub3A = arith.constant 1 : i32
          %sub3A_246 = arith.subi %div3A, %sub3A : i32
          %select_n3A = arith.select %and3A, %sub3A_246, %div3A : i32
          %mul3A_247 = arith.constant 256 : i32
          %mul3A_248 = arith.muli %select_n3A, %mul3A_247 : i32
          %jit3A_249 = arith.constant 8 : i32
          %eq3A_250 = arith.constant 0 : i32
          %eq3A_251 = arith.cmpi eq, %jit3A_249, %eq3A_250 : i32
          %jit3A_252 = arith.constant 1 : i32
          %select_n3A_253 = arith.select %eq3A_251, %jit3A_252, %jit3A_249 : i32
          %rem3A_254 = arith.remsi %while3A_230, %select_n3A_253 : i32
          %ne3A_255 = arith.constant 0 : i32
          %ne3A_256 = arith.cmpi ne, %rem3A_254, %ne3A_255 : i32
          %lt3A_257 = arith.constant 0 : i32
          %lt3A_258 = arith.cmpi slt, %rem3A_254, %lt3A_257 : i32
          %lt3A_259 = arith.constant 0 : i32
          %lt3A_260 = arith.cmpi slt, %select_n3A_253, %lt3A_259 : i32
          %ne3A_261 = arith.xori %lt3A_258, %lt3A_260 : i1
          %and3A_262 = arith.andi %ne3A_261, %ne3A_256 : i1
          %add3A_263 = arith.addi %rem3A_254, %select_n3A_253 : i32
          %select_n3A_264 = arith.select %and3A_262, %add3A_263, %rem3A_254 : i32
          %mul3A_265 = arith.constant 16 : i32
          %mul3A_266 = arith.muli %select_n3A_264, %mul3A_265 : i32
          %add3A_267 = arith.addi %mul3A_248, %mul3A_266 : i32
          %get3A = arith.index_cast %add3A_267 : i32 to index
          %get3A_268 = tpu.vector_load %arg6[%get3A] {strides = array<i32>} : memref<10240xi32, #tpu.memory_space<vmem>>, vector<16xi32>,
          %get3A_269 = vector.shape_cast %get3A_268 : vector<16xi32> to vector<16xi32>
          %add3A_270 = arith.constant 128 : i32
          %add3A_271 = arith.addi %add3A_267, %add3A_270 : i32
          %get3A_272 = arith.index_cast %add3A_271 : i32 to index
          %get3A_273 = tpu.vector_load %arg6[%get3A_272] {strides = array<i32>} : memref<10240xi32, #tpu.memory_space<vmem>>, vector<16xi32>,
          %get3A_274 = vector.shape_cast %get3A_273 : vector<16xi32> to vector<16xi32>
          %mul3A_275 = arith.constant 16 : i32
          %mul3A_276 = arith.muli %while3A_230, %mul3A_275 : i32
          %add3A_277 = arith.addi %mul3A_2, %mul3A_276 : i32
          %jit3A_278 = arith.constant 16384 : i32
          %div3A_279 = arith.divsi %add3A_277, %jit3A_278 : i32
          %sign3A_280 = arith.constant 0 : i32
          %sign3A_281 = arith.cmpi sgt, %add3A_277, %sign3A_280 : i32
          %sign3A_282 = arith.extui %sign3A_281 : i1 to i32
          %sign3A_283 = arith.constant 0 : i32
          %sign3A_284 = arith.cmpi slt, %add3A_277, %sign3A_283 : i32
          %sign3A_285 = arith.extui %sign3A_284 : i1 to i32
          %sign3A_286 = arith.subi %sign3A_282, %sign3A_285 : i32
          %sign3A_287 = arith.constant 0 : i32
          %sign3A_288 = arith.cmpi sgt, %jit3A_278, %sign3A_287 : i32
          %sign3A_289 = arith.extui %sign3A_288 : i1 to i32
          %sign3A_290 = arith.constant 0 : i32
          %sign3A_291 = arith.cmpi slt, %jit3A_278, %sign3A_290 : i32
          %sign3A_292 = arith.extui %sign3A_291 : i1 to i32
          %sign3A_293 = arith.subi %sign3A_289, %sign3A_292 : i32
          %ne3A_294 = arith.cmpi ne, %sign3A_286, %sign3A_293 : i32
          %rem3A_295 = arith.remsi %add3A_277, %jit3A_278 : i32
          %ne3A_296 = arith.constant 0 : i32
          %ne3A_297 = arith.cmpi ne, %rem3A_295, %ne3A_296 : i32
          %and3A_298 = arith.andi %ne3A_294, %ne3A_297 : i1
          %sub3A_299 = arith.constant 1 : i32
          %sub3A_300 = arith.subi %div3A_279, %sub3A_299 : i32
          %select_n3A_301 = arith.select %and3A_298, %sub3A_300, %div3A_279 : i32
          %mul3A_302 = arith.constant 400 : i32
          %mul3A_303 = arith.muli %select_n3A_301, %mul3A_302 : i32
          %mul3A_304 = arith.constant 20 : i32
          %mul3A_305 = vector.broadcast %mul3A_304 : i32 to vector<16xi32>
          %mul3A_306 = arith.muli %get3A_269, %mul3A_305 : vector<16xi32>
          %add3A_307 = vector.broadcast %mul3A_303 : i32 to vector<16xi32>
          %add3A_308 = arith.addi %add3A_307, %mul3A_306 : vector<16xi32>
          %add3A_309 = arith.addi %add3A_308, %get3A_274 : vector<16xi32>
          %jit3A_310 = arith.constant 8 : i32
          %div3A_311 = arith.divsi %while3A_230, %jit3A_310 : i32
          %sign3A_312 = arith.constant 0 : i32
          %sign3A_313 = arith.cmpi sgt, %while3A_230, %sign3A_312 : i32
          %sign3A_314 = arith.extui %sign3A_313 : i1 to i32
          %sign3A_315 = arith.constant 0 : i32
          %sign3A_316 = arith.cmpi slt, %while3A_230, %sign3A_315 : i32
          %sign3A_317 = arith.extui %sign3A_316 : i1 to i32
          %sign3A_318 = arith.subi %sign3A_314, %sign3A_317 : i32
          %sign3A_319 = arith.constant 0 : i32
          %sign3A_320 = arith.cmpi sgt, %jit3A_310, %sign3A_319 : i32
          %sign3A_321 = arith.extui %sign3A_320 : i1 to i32
          %sign3A_322 = arith.constant 0 : i32
          %sign3A_323 = arith.cmpi slt, %jit3A_310, %sign3A_322 : i32
          %sign3A_324 = arith.extui %sign3A_323 : i1 to i32
          %sign3A_325 = arith.subi %sign3A_321, %sign3A_324 : i32
          %ne3A_326 = arith.cmpi ne, %sign3A_318, %sign3A_325 : i32
          %rem3A_327 = arith.remsi %while3A_230, %jit3A_310 : i32
          %ne3A_328 = arith.constant 0 : i32
          %ne3A_329 = arith.cmpi ne, %rem3A_327, %ne3A_328 : i32
          %and3A_330 = arith.andi %ne3A_326, %ne3A_329 : i1
          %sub3A_331 = arith.constant 1 : i32
          %sub3A_332 = arith.subi %div3A_311, %sub3A_331 : i32
          %select_n3A_333 = arith.select %and3A_330, %sub3A_332, %div3A_311 : i32
          %jit3A_334 = arith.constant 8 : i32
          %eq3A_335 = arith.constant 0 : i32
          %eq3A_336 = arith.cmpi eq, %jit3A_334, %eq3A_335 : i32
          %jit3A_337 = arith.constant 1 : i32
          %select_n3A_338 = arith.select %eq3A_336, %jit3A_337, %jit3A_334 : i32
          %rem3A_339 = arith.remsi %while3A_230, %select_n3A_338 : i32
          %ne3A_340 = arith.constant 0 : i32
          %ne3A_341 = arith.cmpi ne, %rem3A_339, %ne3A_340 : i32
          %lt3A_342 = arith.constant 0 : i32
          %lt3A_343 = arith.cmpi slt, %rem3A_339, %lt3A_342 : i32
          %lt3A_344 = arith.constant 0 : i32
          %lt3A_345 = arith.cmpi slt, %select_n3A_338, %lt3A_344 : i32
          %ne3A_346 = arith.xori %lt3A_343, %lt3A_345 : i1
          %and3A_347 = arith.andi %ne3A_346, %ne3A_341 : i1
          %add3A_348 = arith.addi %rem3A_339, %select_n3A_338 : i32
          %select_n3A_349 = arith.select %and3A_347, %add3A_348, %rem3A_339 : i32
          %mul3A_350 = arith.constant 16 : i32
          %mul3A_351 = arith.muli %select_n3A_349, %mul3A_350 : i32
          %swap3A = arith.index_cast %select_n3A_333 : i32 to index
          %swap3A_352 = arith.index_cast %mul3A_351 : i32 to index
          %swap3A_353 = tpu.vector_load %arg7[%swap3A, %swap3A_352] {strides = array<i32>} : memref<40x128xi32, #tpu.memory_space<vmem>>, vector<1x16xi32>,
          %swap3A_354 = vector.shape_cast %swap3A_353 : vector<1x16xi32> to vector<16xi32>
          %swap3A_355 = vector.shape_cast %add3A_309 : vector<16xi32> to vector<1x16xi32>
          tpu.vector_store %arg7[%swap3A, %swap3A_352], %swap3A_355 {strides = array<i32>} : memref<40x128xi32, #tpu.memory_space<vmem>>, vector<1x16xi32>,
        }
        %while3A_229 = arith.constant 1 : i32
        scf.for %while3A_230 = %while3A_227 to %while3A_223 step %while3A_229  : i32 {
          %jit3A = arith.constant 8 : i32
          %div3A = arith.divsi %while3A_230, %jit3A : i32
          %sign3A = arith.constant 0 : i32
          %sign3A_231 = arith.cmpi sgt, %while3A_230, %sign3A : i32
          %sign3A_232 = arith.extui %sign3A_231 : i1 to i32
          %sign3A_233 = arith.constant 0 : i32
          %sign3A_234 = arith.cmpi slt, %while3A_230, %sign3A_233 : i32
          %sign3A_235 = arith.extui %sign3A_234 : i1 to i32
          %sign3A_236 = arith.subi %sign3A_232, %sign3A_235 : i32
          %sign3A_237 = arith.constant 0 : i32
          %sign3A_238 = arith.cmpi sgt, %jit3A, %sign3A_237 : i32
          %sign3A_239 = arith.extui %sign3A_238 : i1 to i32
          %sign3A_240 = arith.constant 0 : i32
          %sign3A_241 = arith.cmpi slt, %jit3A, %sign3A_240 : i32
          %sign3A_242 = arith.extui %sign3A_241 : i1 to i32
          %sign3A_243 = arith.subi %sign3A_239, %sign3A_242 : i32
          %ne3A = arith.cmpi ne, %sign3A_236, %sign3A_243 : i32
          %rem3A = arith.remsi %while3A_230, %jit3A : i32
          %ne3A_244 = arith.constant 0 : i32
          %ne3A_245 = arith.cmpi ne, %rem3A, %ne3A_244 : i32
          %and3A = arith.andi %ne3A, %ne3A_245 : i1
          %sub3A = arith.constant 1 : i32
          %sub3A_246 = arith.subi %div3A, %sub3A : i32
          %select_n3A = arith.select %and3A, %sub3A_246, %div3A : i32
          %mul3A_247 = arith.constant 256 : i32
          %mul3A_248 = arith.muli %select_n3A, %mul3A_247 : i32
          %jit3A_249 = arith.constant 8 : i32
          %eq3A_250 = arith.constant 0 : i32
          %eq3A_251 = arith.cmpi eq, %jit3A_249, %eq3A_250 : i32
          %jit3A_252 = arith.constant 1 : i32
          %select_n3A_253 = arith.select %eq3A_251, %jit3A_252, %jit3A_249 : i32
          %rem3A_254 = arith.remsi %while3A_230, %select_n3A_253 : i32
          %ne3A_255 = arith.constant 0 : i32
          %ne3A_256 = arith.cmpi ne, %rem3A_254, %ne3A_255 : i32
          %lt3A_257 = arith.constant 0 : i32
          %lt3A_258 = arith.cmpi slt, %rem3A_254, %lt3A_257 : i32
          %lt3A_259 = arith.constant 0 : i32
          %lt3A_260 = arith.cmpi slt, %select_n3A_253, %lt3A_259 : i32
          %ne3A_261 = arith.xori %lt3A_258, %lt3A_260 : i1
          %and3A_262 = arith.andi %ne3A_261, %ne3A_256 : i1
          %add3A_263 = arith.addi %rem3A_254, %select_n3A_253 : i32
          %select_n3A_264 = arith.select %and3A_262, %add3A_263, %rem3A_254 : i32
          %mul3A_265 = arith.constant 16 : i32
          %mul3A_266 = arith.muli %select_n3A_264, %mul3A_265 : i32
          %add3A_267 = arith.addi %mul3A_248, %mul3A_266 : i32
          %get3A = arith.index_cast %add3A_267 : i32 to index
          %get3A_268 = tpu.vector_load %arg6[%get3A] {strides = array<i32>} : memref<10240xi32, #tpu.memory_space<vmem>>, vector<16xi32>,
          %get3A_269 = vector.shape_cast %get3A_268 : vector<16xi32> to vector<16xi32>
          %add3A_270 = arith.constant 128 : i32
          %add3A_271 = arith.addi %add3A_267, %add3A_270 : i32
          %get3A_272 = arith.index_cast %add3A_271 : i32 to index
          %get3A_273 = tpu.vector_load %arg6[%get3A_272] {strides = array<i32>} : memref<10240xi32, #tpu.memory_space<vmem>>, vector<16xi32>,
          %get3A_274 = vector.shape_cast %get3A_273 : vector<16xi32> to vector<16xi32>
          %mul3A_275 = arith.constant 16 : i32
          %mul3A_276 = arith.muli %while3A_230, %mul3A_275 : i32
          %add3A_277 = arith.addi %mul3A_2, %mul3A_276 : i32
          %jit3A_278 = arith.constant 16384 : i32
          %div3A_279 = arith.divsi %add3A_277, %jit3A_278 : i32
          %sign3A_280 = arith.constant 0 : i32
          %sign3A_281 = arith.cmpi sgt, %add3A_277, %sign3A_280 : i32
          %sign3A_282 = arith.extui %sign3A_281 : i1 to i32
          %sign3A_283 = arith.constant 0 : i32
          %sign3A_284 = arith.cmpi slt, %add3A_277, %sign3A_283 : i32
          %sign3A_285 = arith.extui %sign3A_284 : i1 to i32
          %sign3A_286 = arith.subi %sign3A_282, %sign3A_285 : i32
          %sign3A_287 = arith.constant 0 : i32
          %sign3A_288 = arith.cmpi sgt, %jit3A_278, %sign3A_287 : i32
          %sign3A_289 = arith.extui %sign3A_288 : i1 to i32
          %sign3A_290 = arith.constant 0 : i32
          %sign3A_291 = arith.cmpi slt, %jit3A_278, %sign3A_290 : i32
          %sign3A_292 = arith.extui %sign3A_291 : i1 to i32
          %sign3A_293 = arith.subi %sign3A_289, %sign3A_292 : i32
          %ne3A_294 = arith.cmpi ne, %sign3A_286, %sign3A_293 : i32
          %rem3A_295 = arith.remsi %add3A_277, %jit3A_278 : i32
          %ne3A_296 = arith.constant 0 : i32
          %ne3A_297 = arith.cmpi ne, %rem3A_295, %ne3A_296 : i32
          %and3A_298 = arith.andi %ne3A_294, %ne3A_297 : i1
          %sub3A_299 = arith.constant 1 : i32
          %sub3A_300 = arith.subi %div3A_279, %sub3A_299 : i32
          %select_n3A_301 = arith.select %and3A_298, %sub3A_300, %div3A_279 : i32
          %mul3A_302 = arith.constant 400 : i32
          %mul3A_303 = arith.muli %select_n3A_301, %mul3A_302 : i32
          %mul3A_304 = arith.constant 20 : i32
          %mul3A_305 = vector.broadcast %mul3A_304 : i32 to vector<16xi32>
          %mul3A_306 = arith.muli %get3A_269, %mul3A_305 : vector<16xi32>
          %add3A_307 = vector.broadcast %mul3A_303 : i32 to vector<16xi32>
          %add3A_308 = arith.addi %add3A_307, %mul3A_306 : vector<16xi32>
          %add3A_309 = arith.addi %add3A_308, %get3A_274 : vector<16xi32>
          %jit3A_310 = arith.constant 8 : i32
          %div3A_311 = arith.divsi %while3A_230, %jit3A_310 : i32
          %sign3A_312 = arith.constant 0 : i32
          %sign3A_313 = arith.cmpi sgt, %while3A_230, %sign3A_312 : i32
          %sign3A_314 = arith.extui %sign3A_313 : i1 to i32
          %sign3A_315 = arith.constant 0 : i32
          %sign3A_316 = arith.cmpi slt, %while3A_230, %sign3A_315 : i32
          %sign3A_317 = arith.extui %sign3A_316 : i1 to i32
          %sign3A_318 = arith.subi %sign3A_314, %sign3A_317 : i32
          %sign3A_319 = arith.constant 0 : i32
          %sign3A_320 = arith.cmpi sgt, %jit3A_310, %sign3A_319 : i32
          %sign3A_321 = arith.extui %sign3A_320 : i1 to i32
          %sign3A_322 = arith.constant 0 : i32
          %sign3A_323 = arith.cmpi slt, %jit3A_310, %sign3A_322 : i32
          %sign3A_324 = arith.extui %sign3A_323 : i1 to i32
          %sign3A_325 = arith.subi %sign3A_321, %sign3A_324 : i32
          %ne3A_326 = arith.cmpi ne, %sign3A_318, %sign3A_325 : i32
          %rem3A_327 = arith.remsi %while3A_230, %jit3A_310 : i32
          %ne3A_328 = arith.constant 0 : i32
          %ne3A_329 = arith.cmpi ne, %rem3A_327, %ne3A_328 : i32
          %and3A_330 = arith.andi %ne3A_326, %ne3A_329 : i1
          %sub3A_331 = arith.constant 1 : i32
          %sub3A_332 = arith.subi %div3A_311, %sub3A_331 : i32
          %select_n3A_333 = arith.select %and3A_330, %sub3A_332, %div3A_311 : i32
          %jit3A_334 = arith.constant 8 : i32
          %eq3A_335 = arith.constant 0 : i32
          %eq3A_336 = arith.cmpi eq, %jit3A_334, %eq3A_335 : i32
          %jit3A_337 = arith.constant 1 : i32
          %select_n3A_338 = arith.select %eq3A_336, %jit3A_337, %jit3A_334 : i32
          %rem3A_339 = arith.remsi %while3A_230, %select_n3A_338 : i32
          %ne3A_340 = arith.constant 0 : i32
          %ne3A_341 = arith.cmpi ne, %rem3A_339, %ne3A_340 : i32
          %lt3A_342 = arith.constant 0 : i32
          %lt3A_343 = arith.cmpi slt, %rem3A_339, %lt3A_342 : i32
          %lt3A_344 = arith.constant 0 : i32
          %lt3A_345 = arith.cmpi slt, %select_n3A_338, %lt3A_344 : i32
          %ne3A_346 = arith.xori %lt3A_343, %lt3A_345 : i1
          %and3A_347 = arith.andi %ne3A_346, %ne3A_341 : i1
          %add3A_348 = arith.addi %rem3A_339, %select_n3A_338 : i32
          %select_n3A_349 = arith.select %and3A_347, %add3A_348, %rem3A_339 : i32
          %mul3A_350 = arith.constant 16 : i32
          %mul3A_351 = arith.muli %select_n3A_349, %mul3A_350 : i32
          %swap3A = arith.index_cast %select_n3A_333 : i32 to index
          %swap3A_352 = arith.index_cast %mul3A_351 : i32 to index
          %swap3A_353 = tpu.vector_load %arg7[%swap3A, %swap3A_352] {strides = array<i32>} : memref<40x128xi32, #tpu.memory_space<vmem>>, vector<1x16xi32>,
          %swap3A_354 = vector.shape_cast %swap3A_353 : vector<1x16xi32> to vector<16xi32>
          %swap3A_355 = vector.shape_cast %add3A_309 : vector<16xi32> to vector<1x16xi32>
          tpu.vector_store %arg7[%swap3A, %swap3A_352], %swap3A_355 {strides = array<i32>} : memref<40x128xi32, #tpu.memory_space<vmem>>, vector<1x16xi32>,
        }
      } else {
      }
      %dma_wait3A_167 = arith.constant 0 : i32
      %dma_wait3A_168 = arith.constant 0 : i32
      %dma_wait3A_169 = tpu.memref_slice %arg7[%dma_wait3A_167, %dma_wait3A_168] : memref<40x128xi32, #tpu.memory_space<vmem>> -> memref<1x128xi32, #tpu.memory_space<vmem>>
      %dma_wait3A_170 = tpu.memref_squeeze %dma_wait3A_169 : memref<1x128xi32, #tpu.memory_space<vmem>> -> memref<128xi32, #tpu.memory_space<vmem>>
      %dma_wait3A_171 = arith.constant 0 : i32
      %dma_wait3A_172 = arith.constant 0 : i32
      %dma_wait3A_173 = tpu.memref_slice %arg5[%dma_wait3A_171, %dma_wait3A_172] : memref<4000x128xf32, #tpu.memory_space<vmem_shared>> -> memref<4000x128xf32, #tpu.memory_space<vmem_shared>>
      tpu.wait_indirect_dma semaphore(%arg16 : memref<!tpu.dma_semaphore, #tpu.memory_space<semaphore_mem>>) src(%dma_wait3A_173 : memref<4000x128xf32, #tpu.memory_space<vmem_shared>>) dst(%arg11 : memref<128x128xf32, #tpu.memory_space<vmem>>)
      %mul3A_174 = arith.constant 128 : i32
      %mul3A_175 = arith.muli %add3A_161, %mul3A_174 : i32
      %add3A_176 = arith.addi %mul3A_2, %mul3A_175 : i32
      %dma_start3A_177 = arith.constant 0 : i32
      %dma_start3A_178 = tpu.memref_slice %arg4[%add3A_176, %dma_start3A_177] : memref<163840x128xf32, #tpu.memory_space<hbm>> -> memref<128x128xf32, #tpu.memory_space<hbm>>
      %dma_start3A_179 = arith.constant 0 : i32
      %dma_start3A_180 = tpu.memref_slice %arg4[%add3A_176, %dma_start3A_179] : memref<163840x128xf32, #tpu.memory_space<hbm>> -> memref<128x128xf32, #tpu.memory_space<hbm>>
      tpu.enqueue_dma source(%arg11 : memref<128x128xf32, #tpu.memory_space<vmem>>) target(%dma_start3A_180 : memref<128x128xf32, #tpu.memory_space<hbm>>) target_semaphore(%arg21 : memref<!tpu.dma_semaphore, #tpu.memory_space<semaphore_mem>>)
      %lt3A_181 = arith.constant 37 : i32
      %lt3A_182 = arith.cmpi slt, %add3A_161, %lt3A_181 : i32
      %convert_element_type3A_183 = arith.extui %lt3A_182 : i1 to i32
      %cond3A_184 = arith.constant 0 : i32
      %cond3A_185 = arith.cmpi ne, %convert_element_type3A_183, %cond3A_184 : i32
      scf.if %cond3A_185 {
        %ge3A = arith.constant 2 : i32
        %ge3A_214 = arith.cmpi sge, %add3A_161, %ge3A : i32
        %convert_element_type3A_215 = arith.extui %ge3A_214 : i1 to i32
        %cond3A_216 = arith.constant 0 : i32
        %cond3A_217 = arith.cmpi ne, %convert_element_type3A_215, %cond3A_216 : i32
        scf.if %cond3A_217 {
          %dma_wait3A_226 = arith.constant 0 : i32
          %dma_wait3A_227 = tpu.memref_slice %arg4[%mul3A_2, %dma_wait3A_226] : memref<163840x128xf32, #tpu.memory_space<hbm>> -> memref<128x128xf32, #tpu.memory_space<hbm>>
          %dma_wait3A_228 = arith.constant 0 : i32
          %dma_wait3A_229 = tpu.memref_slice %arg4[%mul3A_2, %dma_wait3A_228] : memref<163840x128xf32, #tpu.memory_space<hbm>> -> memref<128x128xf32, #tpu.memory_space<hbm>>
          tpu.wait_dma2 semaphore(%arg19 : memref<!tpu.dma_semaphore, #tpu.memory_space<semaphore_mem>>) src(%arg9 : memref<128x128xf32, #tpu.memory_space<vmem>>) dst(%dma_wait3A_229 : memref<128x128xf32, #tpu.memory_space<hbm>>)
        } else {
        }
        %add3A_218 = arith.constant 3 : i32
        %add3A_219 = arith.addi %add3A_161, %add3A_218 : i32
        %dma_start3A_220 = arith.constant 0 : i32
        %dma_start3A_221 = tpu.memref_slice %arg7[%add3A_219, %dma_start3A_220] : memref<40x128xi32, #tpu.memory_space<vmem>> -> memref<1x128xi32, #tpu.memory_space<vmem>>
        %dma_start3A_222 = tpu.memref_squeeze %dma_start3A_221 : memref<1x128xi32, #tpu.memory_space<vmem>> -> memref<128xi32, #tpu.memory_space<vmem>>
        %dma_start3A_223 = arith.constant 0 : i32
        %dma_start3A_224 = arith.constant 0 : i32
        %dma_start3A_225 = tpu.memref_slice %arg5[%dma_start3A_223, %dma_start3A_224] : memref<4000x128xf32, #tpu.memory_space<vmem_shared>> -> memref<4000x128xf32, #tpu.memory_space<vmem_shared>>
        tpu.enqueue_indirect_dma source(%dma_start3A_225 : memref<4000x128xf32, #tpu.memory_space<vmem_shared>>) target(%arg9 : memref<128x128xf32, #tpu.memory_space<vmem>>) offsets(%dma_start3A_222 : memref<128xi32, #tpu.memory_space<vmem>>) semaphore(%arg14 : memref<!tpu.dma_semaphore, #tpu.memory_space<semaphore_mem>>)
      } else {
      }
      %mul3A_186 = arith.constant 5 : i32
      %mul3A_187 = arith.muli %scan3A_74, %mul3A_186 : i32
      %add3A_188 = arith.constant 4 : i32
      %add3A_189 = arith.addi %mul3A_187, %add3A_188 : i32
      %lt3A_190 = arith.constant 37 : i32
      %lt3A_191 = arith.cmpi slt, %add3A_189, %lt3A_190 : i32
      %convert_element_type3A_192 = arith.extui %lt3A_191 : i1 to i32
      %cond3A_193 = arith.constant 0 : i32
      %cond3A_194 = arith.cmpi ne, %convert_element_type3A_192, %cond3A_193 : i32
      scf.if %cond3A_194 {
        %add3A_214 = arith.constant 3 : i32
        %add3A_215 = arith.addi %add3A_189, %add3A_214 : i32
        %mul3A_216 = arith.constant 8 : i32
        %mul3A_217 = arith.muli %add3A_215, %mul3A_216 : i32
        %mul3A_218 = arith.constant 8 : i32
        %mul3A_219 = arith.muli %add3A_215, %mul3A_218 : i32
        %add3A_220 = arith.constant 8 : i32
        %add3A_221 = arith.addi %mul3A_219, %add3A_220 : i32
        %while3A = arith.constant 0 : i32
        %while3A_222 = arith.subi %add3A_221, %mul3A_217 : i32
        %while3A_223 = arith.addi %mul3A_217, %while3A_222 : i32
        %while3A_224 = arith.constant 1 : i32
        %while3A_225 = arith.divsi %while3A_222, %while3A_224 : i32
        %while3A_226 = arith.muli %while3A_225, %while3A_224 : i32
        %while3A_227 = arith.addi %mul3A_217, %while3A_226 : i32
        %while3A_228 = arith.constant 1 : i32
        scf.for %while3A_230 = %mul3A_217 to %while3A_227 step %while3A_228  : i32 {
          %jit3A = arith.constant 8 : i32
          %div3A = arith.divsi %while3A_230, %jit3A : i32
          %sign3A = arith.constant 0 : i32
          %sign3A_231 = arith.cmpi sgt, %while3A_230, %sign3A : i32
          %sign3A_232 = arith.extui %sign3A_231 : i1 to i32
          %sign3A_233 = arith.constant 0 : i32
          %sign3A_234 = arith.cmpi slt, %while3A_230, %sign3A_233 : i32
          %sign3A_235 = arith.extui %sign3A_234 : i1 to i32
          %sign3A_236 = arith.subi %sign3A_232, %sign3A_235 : i32
          %sign3A_237 = arith.constant 0 : i32
          %sign3A_238 = arith.cmpi sgt, %jit3A, %sign3A_237 : i32
          %sign3A_239 = arith.extui %sign3A_238 : i1 to i32
          %sign3A_240 = arith.constant 0 : i32
          %sign3A_241 = arith.cmpi slt, %jit3A, %sign3A_240 : i32
          %sign3A_242 = arith.extui %sign3A_241 : i1 to i32
          %sign3A_243 = arith.subi %sign3A_239, %sign3A_242 : i32
          %ne3A = arith.cmpi ne, %sign3A_236, %sign3A_243 : i32
          %rem3A = arith.remsi %while3A_230, %jit3A : i32
          %ne3A_244 = arith.constant 0 : i32
          %ne3A_245 = arith.cmpi ne, %rem3A, %ne3A_244 : i32
          %and3A = arith.andi %ne3A, %ne3A_245 : i1
          %sub3A = arith.constant 1 : i32
          %sub3A_246 = arith.subi %div3A, %sub3A : i32
          %select_n3A = arith.select %and3A, %sub3A_246, %div3A : i32
          %mul3A_247 = arith.constant 256 : i32
          %mul3A_248 = arith.muli %select_n3A, %mul3A_247 : i32
          %jit3A_249 = arith.constant 8 : i32
          %eq3A_250 = arith.constant 0 : i32
          %eq3A_251 = arith.cmpi eq, %jit3A_249, %eq3A_250 : i32
          %jit3A_252 = arith.constant 1 : i32
          %select_n3A_253 = arith.select %eq3A_251, %jit3A_252, %jit3A_249 : i32
          %rem3A_254 = arith.remsi %while3A_230, %select_n3A_253 : i32
          %ne3A_255 = arith.constant 0 : i32
          %ne3A_256 = arith.cmpi ne, %rem3A_254, %ne3A_255 : i32
          %lt3A_257 = arith.constant 0 : i32
          %lt3A_258 = arith.cmpi slt, %rem3A_254, %lt3A_257 : i32
          %lt3A_259 = arith.constant 0 : i32
          %lt3A_260 = arith.cmpi slt, %select_n3A_253, %lt3A_259 : i32
          %ne3A_261 = arith.xori %lt3A_258, %lt3A_260 : i1
          %and3A_262 = arith.andi %ne3A_261, %ne3A_256 : i1
          %add3A_263 = arith.addi %rem3A_254, %select_n3A_253 : i32
          %select_n3A_264 = arith.select %and3A_262, %add3A_263, %rem3A_254 : i32
          %mul3A_265 = arith.constant 16 : i32
          %mul3A_266 = arith.muli %select_n3A_264, %mul3A_265 : i32
          %add3A_267 = arith.addi %mul3A_248, %mul3A_266 : i32
          %get3A = arith.index_cast %add3A_267 : i32 to index
          %get3A_268 = tpu.vector_load %arg6[%get3A] {strides = array<i32>} : memref<10240xi32, #tpu.memory_space<vmem>>, vector<16xi32>,
          %get3A_269 = vector.shape_cast %get3A_268 : vector<16xi32> to vector<16xi32>
          %add3A_270 = arith.constant 128 : i32
          %add3A_271 = arith.addi %add3A_267, %add3A_270 : i32
          %get3A_272 = arith.index_cast %add3A_271 : i32 to index
          %get3A_273 = tpu.vector_load %arg6[%get3A_272] {strides = array<i32>} : memref<10240xi32, #tpu.memory_space<vmem>>, vector<16xi32>,
          %get3A_274 = vector.shape_cast %get3A_273 : vector<16xi32> to vector<16xi32>
          %mul3A_275 = arith.constant 16 : i32
          %mul3A_276 = arith.muli %while3A_230, %mul3A_275 : i32
          %add3A_277 = arith.addi %mul3A_2, %mul3A_276 : i32
          %jit3A_278 = arith.constant 16384 : i32
          %div3A_279 = arith.divsi %add3A_277, %jit3A_278 : i32
          %sign3A_280 = arith.constant 0 : i32
          %sign3A_281 = arith.cmpi sgt, %add3A_277, %sign3A_280 : i32
          %sign3A_282 = arith.extui %sign3A_281 : i1 to i32
          %sign3A_283 = arith.constant 0 : i32
          %sign3A_284 = arith.cmpi slt, %add3A_277, %sign3A_283 : i32
          %sign3A_285 = arith.extui %sign3A_284 : i1 to i32
          %sign3A_286 = arith.subi %sign3A_282, %sign3A_285 : i32
          %sign3A_287 = arith.constant 0 : i32
          %sign3A_288 = arith.cmpi sgt, %jit3A_278, %sign3A_287 : i32
          %sign3A_289 = arith.extui %sign3A_288 : i1 to i32
          %sign3A_290 = arith.constant 0 : i32
          %sign3A_291 = arith.cmpi slt, %jit3A_278, %sign3A_290 : i32
          %sign3A_292 = arith.extui %sign3A_291 : i1 to i32
          %sign3A_293 = arith.subi %sign3A_289, %sign3A_292 : i32
          %ne3A_294 = arith.cmpi ne, %sign3A_286, %sign3A_293 : i32
          %rem3A_295 = arith.remsi %add3A_277, %jit3A_278 : i32
          %ne3A_296 = arith.constant 0 : i32
          %ne3A_297 = arith.cmpi ne, %rem3A_295, %ne3A_296 : i32
          %and3A_298 = arith.andi %ne3A_294, %ne3A_297 : i1
          %sub3A_299 = arith.constant 1 : i32
          %sub3A_300 = arith.subi %div3A_279, %sub3A_299 : i32
          %select_n3A_301 = arith.select %and3A_298, %sub3A_300, %div3A_279 : i32
          %mul3A_302 = arith.constant 400 : i32
          %mul3A_303 = arith.muli %select_n3A_301, %mul3A_302 : i32
          %mul3A_304 = arith.constant 20 : i32
          %mul3A_305 = vector.broadcast %mul3A_304 : i32 to vector<16xi32>
          %mul3A_306 = arith.muli %get3A_269, %mul3A_305 : vector<16xi32>
          %add3A_307 = vector.broadcast %mul3A_303 : i32 to vector<16xi32>
          %add3A_308 = arith.addi %add3A_307, %mul3A_306 : vector<16xi32>
          %add3A_309 = arith.addi %add3A_308, %get3A_274 : vector<16xi32>
          %jit3A_310 = arith.constant 8 : i32
          %div3A_311 = arith.divsi %while3A_230, %jit3A_310 : i32
          %sign3A_312 = arith.constant 0 : i32
          %sign3A_313 = arith.cmpi sgt, %while3A_230, %sign3A_312 : i32
          %sign3A_314 = arith.extui %sign3A_313 : i1 to i32
          %sign3A_315 = arith.constant 0 : i32
          %sign3A_316 = arith.cmpi slt, %while3A_230, %sign3A_315 : i32
          %sign3A_317 = arith.extui %sign3A_316 : i1 to i32
          %sign3A_318 = arith.subi %sign3A_314, %sign3A_317 : i32
          %sign3A_319 = arith.constant 0 : i32
          %sign3A_320 = arith.cmpi sgt, %jit3A_310, %sign3A_319 : i32
          %sign3A_321 = arith.extui %sign3A_320 : i1 to i32
          %sign3A_322 = arith.constant 0 : i32
          %sign3A_323 = arith.cmpi slt, %jit3A_310, %sign3A_322 : i32
          %sign3A_324 = arith.extui %sign3A_323 : i1 to i32
          %sign3A_325 = arith.subi %sign3A_321, %sign3A_324 : i32
          %ne3A_326 = arith.cmpi ne, %sign3A_318, %sign3A_325 : i32
          %rem3A_327 = arith.remsi %while3A_230, %jit3A_310 : i32
          %ne3A_328 = arith.constant 0 : i32
          %ne3A_329 = arith.cmpi ne, %rem3A_327, %ne3A_328 : i32
          %and3A_330 = arith.andi %ne3A_326, %ne3A_329 : i1
          %sub3A_331 = arith.constant 1 : i32
          %sub3A_332 = arith.subi %div3A_311, %sub3A_331 : i32
          %select_n3A_333 = arith.select %and3A_330, %sub3A_332, %div3A_311 : i32
          %jit3A_334 = arith.constant 8 : i32
          %eq3A_335 = arith.constant 0 : i32
          %eq3A_336 = arith.cmpi eq, %jit3A_334, %eq3A_335 : i32
          %jit3A_337 = arith.constant 1 : i32
          %select_n3A_338 = arith.select %eq3A_336, %jit3A_337, %jit3A_334 : i32
          %rem3A_339 = arith.remsi %while3A_230, %select_n3A_338 : i32
          %ne3A_340 = arith.constant 0 : i32
          %ne3A_341 = arith.cmpi ne, %rem3A_339, %ne3A_340 : i32
          %lt3A_342 = arith.constant 0 : i32
          %lt3A_343 = arith.cmpi slt, %rem3A_339, %lt3A_342 : i32
          %lt3A_344 = arith.constant 0 : i32
          %lt3A_345 = arith.cmpi slt, %select_n3A_338, %lt3A_344 : i32
          %ne3A_346 = arith.xori %lt3A_343, %lt3A_345 : i1
          %and3A_347 = arith.andi %ne3A_346, %ne3A_341 : i1
          %add3A_348 = arith.addi %rem3A_339, %select_n3A_338 : i32
          %select_n3A_349 = arith.select %and3A_347, %add3A_348, %rem3A_339 : i32
          %mul3A_350 = arith.constant 16 : i32
          %mul3A_351 = arith.muli %select_n3A_349, %mul3A_350 : i32
          %swap3A = arith.index_cast %select_n3A_333 : i32 to index
          %swap3A_352 = arith.index_cast %mul3A_351 : i32 to index
          %swap3A_353 = tpu.vector_load %arg7[%swap3A, %swap3A_352] {strides = array<i32>} : memref<40x128xi32, #tpu.memory_space<vmem>>, vector<1x16xi32>,
          %swap3A_354 = vector.shape_cast %swap3A_353 : vector<1x16xi32> to vector<16xi32>
          %swap3A_355 = vector.shape_cast %add3A_309 : vector<16xi32> to vector<1x16xi32>
          tpu.vector_store %arg7[%swap3A, %swap3A_352], %swap3A_355 {strides = array<i32>} : memref<40x128xi32, #tpu.memory_space<vmem>>, vector<1x16xi32>,
        }
        %while3A_229 = arith.constant 1 : i32
        scf.for %while3A_230 = %while3A_227 to %while3A_223 step %while3A_229  : i32 {
          %jit3A = arith.constant 8 : i32
          %div3A = arith.divsi %while3A_230, %jit3A : i32
          %sign3A = arith.constant 0 : i32
          %sign3A_231 = arith.cmpi sgt, %while3A_230, %sign3A : i32
          %sign3A_232 = arith.extui %sign3A_231 : i1 to i32
          %sign3A_233 = arith.constant 0 : i32
          %sign3A_234 = arith.cmpi slt, %while3A_230, %sign3A_233 : i32
          %sign3A_235 = arith.extui %sign3A_234 : i1 to i32
          %sign3A_236 = arith.subi %sign3A_232, %sign3A_235 : i32
          %sign3A_237 = arith.constant 0 : i32
          %sign3A_238 = arith.cmpi sgt, %jit3A, %sign3A_237 : i32
          %sign3A_239 = arith.extui %sign3A_238 : i1 to i32
          %sign3A_240 = arith.constant 0 : i32
          %sign3A_241 = arith.cmpi slt, %jit3A, %sign3A_240 : i32
          %sign3A_242 = arith.extui %sign3A_241 : i1 to i32
          %sign3A_243 = arith.subi %sign3A_239, %sign3A_242 : i32
          %ne3A = arith.cmpi ne, %sign3A_236, %sign3A_243 : i32
          %rem3A = arith.remsi %while3A_230, %jit3A : i32
          %ne3A_244 = arith.constant 0 : i32
          %ne3A_245 = arith.cmpi ne, %rem3A, %ne3A_244 : i32
          %and3A = arith.andi %ne3A, %ne3A_245 : i1
          %sub3A = arith.constant 1 : i32
          %sub3A_246 = arith.subi %div3A, %sub3A : i32
          %select_n3A = arith.select %and3A, %sub3A_246, %div3A : i32
          %mul3A_247 = arith.constant 256 : i32
          %mul3A_248 = arith.muli %select_n3A, %mul3A_247 : i32
          %jit3A_249 = arith.constant 8 : i32
          %eq3A_250 = arith.constant 0 : i32
          %eq3A_251 = arith.cmpi eq, %jit3A_249, %eq3A_250 : i32
          %jit3A_252 = arith.constant 1 : i32
          %select_n3A_253 = arith.select %eq3A_251, %jit3A_252, %jit3A_249 : i32
          %rem3A_254 = arith.remsi %while3A_230, %select_n3A_253 : i32
          %ne3A_255 = arith.constant 0 : i32
          %ne3A_256 = arith.cmpi ne, %rem3A_254, %ne3A_255 : i32
          %lt3A_257 = arith.constant 0 : i32
          %lt3A_258 = arith.cmpi slt, %rem3A_254, %lt3A_257 : i32
          %lt3A_259 = arith.constant 0 : i32
          %lt3A_260 = arith.cmpi slt, %select_n3A_253, %lt3A_259 : i32
          %ne3A_261 = arith.xori %lt3A_258, %lt3A_260 : i1
          %and3A_262 = arith.andi %ne3A_261, %ne3A_256 : i1
          %add3A_263 = arith.addi %rem3A_254, %select_n3A_253 : i32
          %select_n3A_264 = arith.select %and3A_262, %add3A_263, %rem3A_254 : i32
          %mul3A_265 = arith.constant 16 : i32
          %mul3A_266 = arith.muli %select_n3A_264, %mul3A_265 : i32
          %add3A_267 = arith.addi %mul3A_248, %mul3A_266 : i32
          %get3A = arith.index_cast %add3A_267 : i32 to index
          %get3A_268 = tpu.vector_load %arg6[%get3A] {strides = array<i32>} : memref<10240xi32, #tpu.memory_space<vmem>>, vector<16xi32>,
          %get3A_269 = vector.shape_cast %get3A_268 : vector<16xi32> to vector<16xi32>
          %add3A_270 = arith.constant 128 : i32
          %add3A_271 = arith.addi %add3A_267, %add3A_270 : i32
          %get3A_272 = arith.index_cast %add3A_271 : i32 to index
          %get3A_273 = tpu.vector_load %arg6[%get3A_272] {strides = array<i32>} : memref<10240xi32, #tpu.memory_space<vmem>>, vector<16xi32>,
          %get3A_274 = vector.shape_cast %get3A_273 : vector<16xi32> to vector<16xi32>
          %mul3A_275 = arith.constant 16 : i32
          %mul3A_276 = arith.muli %while3A_230, %mul3A_275 : i32
          %add3A_277 = arith.addi %mul3A_2, %mul3A_276 : i32
          %jit3A_278 = arith.constant 16384 : i32
          %div3A_279 = arith.divsi %add3A_277, %jit3A_278 : i32
          %sign3A_280 = arith.constant 0 : i32
          %sign3A_281 = arith.cmpi sgt, %add3A_277, %sign3A_280 : i32
          %sign3A_282 = arith.extui %sign3A_281 : i1 to i32
          %sign3A_283 = arith.constant 0 : i32
          %sign3A_284 = arith.cmpi slt, %add3A_277, %sign3A_283 : i32
          %sign3A_285 = arith.extui %sign3A_284 : i1 to i32
          %sign3A_286 = arith.subi %sign3A_282, %sign3A_285 : i32
          %sign3A_287 = arith.constant 0 : i32
          %sign3A_288 = arith.cmpi sgt, %jit3A_278, %sign3A_287 : i32
          %sign3A_289 = arith.extui %sign3A_288 : i1 to i32
          %sign3A_290 = arith.constant 0 : i32
          %sign3A_291 = arith.cmpi slt, %jit3A_278, %sign3A_290 : i32
          %sign3A_292 = arith.extui %sign3A_291 : i1 to i32
          %sign3A_293 = arith.subi %sign3A_289, %sign3A_292 : i32
          %ne3A_294 = arith.cmpi ne, %sign3A_286, %sign3A_293 : i32
          %rem3A_295 = arith.remsi %add3A_277, %jit3A_278 : i32
          %ne3A_296 = arith.constant 0 : i32
          %ne3A_297 = arith.cmpi ne, %rem3A_295, %ne3A_296 : i32
          %and3A_298 = arith.andi %ne3A_294, %ne3A_297 : i1
          %sub3A_299 = arith.constant 1 : i32
          %sub3A_300 = arith.subi %div3A_279, %sub3A_299 : i32
          %select_n3A_301 = arith.select %and3A_298, %sub3A_300, %div3A_279 : i32
          %mul3A_302 = arith.constant 400 : i32
          %mul3A_303 = arith.muli %select_n3A_301, %mul3A_302 : i32
          %mul3A_304 = arith.constant 20 : i32
          %mul3A_305 = vector.broadcast %mul3A_304 : i32 to vector<16xi32>
          %mul3A_306 = arith.muli %get3A_269, %mul3A_305 : vector<16xi32>
          %add3A_307 = vector.broadcast %mul3A_303 : i32 to vector<16xi32>
          %add3A_308 = arith.addi %add3A_307, %mul3A_306 : vector<16xi32>
          %add3A_309 = arith.addi %add3A_308, %get3A_274 : vector<16xi32>
          %jit3A_310 = arith.constant 8 : i32
          %div3A_311 = arith.divsi %while3A_230, %jit3A_310 : i32
          %sign3A_312 = arith.constant 0 : i32
          %sign3A_313 = arith.cmpi sgt, %while3A_230, %sign3A_312 : i32
          %sign3A_314 = arith.extui %sign3A_313 : i1 to i32
          %sign3A_315 = arith.constant 0 : i32
          %sign3A_316 = arith.cmpi slt, %while3A_230, %sign3A_315 : i32
          %sign3A_317 = arith.extui %sign3A_316 : i1 to i32
          %sign3A_318 = arith.subi %sign3A_314, %sign3A_317 : i32
          %sign3A_319 = arith.constant 0 : i32
          %sign3A_320 = arith.cmpi sgt, %jit3A_310, %sign3A_319 : i32
          %sign3A_321 = arith.extui %sign3A_320 : i1 to i32
          %sign3A_322 = arith.constant 0 : i32
          %sign3A_323 = arith.cmpi slt, %jit3A_310, %sign3A_322 : i32
          %sign3A_324 = arith.extui %sign3A_323 : i1 to i32
          %sign3A_325 = arith.subi %sign3A_321, %sign3A_324 : i32
          %ne3A_326 = arith.cmpi ne, %sign3A_318, %sign3A_325 : i32
          %rem3A_327 = arith.remsi %while3A_230, %jit3A_310 : i32
          %ne3A_328 = arith.constant 0 : i32
          %ne3A_329 = arith.cmpi ne, %rem3A_327, %ne3A_328 : i32
          %and3A_330 = arith.andi %ne3A_326, %ne3A_329 : i1
          %sub3A_331 = arith.constant 1 : i32
          %sub3A_332 = arith.subi %div3A_311, %sub3A_331 : i32
          %select_n3A_333 = arith.select %and3A_330, %sub3A_332, %div3A_311 : i32
          %jit3A_334 = arith.constant 8 : i32
          %eq3A_335 = arith.constant 0 : i32
          %eq3A_336 = arith.cmpi eq, %jit3A_334, %eq3A_335 : i32
          %jit3A_337 = arith.constant 1 : i32
          %select_n3A_338 = arith.select %eq3A_336, %jit3A_337, %jit3A_334 : i32
          %rem3A_339 = arith.remsi %while3A_230, %select_n3A_338 : i32
          %ne3A_340 = arith.constant 0 : i32
          %ne3A_341 = arith.cmpi ne, %rem3A_339, %ne3A_340 : i32
          %lt3A_342 = arith.constant 0 : i32
          %lt3A_343 = arith.cmpi slt, %rem3A_339, %lt3A_342 : i32
          %lt3A_344 = arith.constant 0 : i32
          %lt3A_345 = arith.cmpi slt, %select_n3A_338, %lt3A_344 : i32
          %ne3A_346 = arith.xori %lt3A_343, %lt3A_345 : i1
          %and3A_347 = arith.andi %ne3A_346, %ne3A_341 : i1
          %add3A_348 = arith.addi %rem3A_339, %select_n3A_338 : i32
          %select_n3A_349 = arith.select %and3A_347, %add3A_348, %rem3A_339 : i32
          %mul3A_350 = arith.constant 16 : i32
          %mul3A_351 = arith.muli %select_n3A_349, %mul3A_350 : i32
          %swap3A = arith.index_cast %select_n3A_333 : i32 to index
          %swap3A_352 = arith.index_cast %mul3A_351 : i32 to index
          %swap3A_353 = tpu.vector_load %arg7[%swap3A, %swap3A_352] {strides = array<i32>} : memref<40x128xi32, #tpu.memory_space<vmem>>, vector<1x16xi32>,
          %swap3A_354 = vector.shape_cast %swap3A_353 : vector<1x16xi32> to vector<16xi32>
          %swap3A_355 = vector.shape_cast %add3A_309 : vector<16xi32> to vector<1x16xi32>
          tpu.vector_store %arg7[%swap3A, %swap3A_352], %swap3A_355 {strides = array<i32>} : memref<40x128xi32, #tpu.memory_space<vmem>>, vector<1x16xi32>,
        }
      } else {
      }
      %dma_wait3A_195 = arith.constant 0 : i32
      %dma_wait3A_196 = arith.constant 0 : i32
      %dma_wait3A_197 = tpu.memref_slice %arg7[%dma_wait3A_195, %dma_wait3A_196] : memref<40x128xi32, #tpu.memory_space<vmem>> -> memref<1x128xi32, #tpu.memory_space<vmem>>
      %dma_wait3A_198 = tpu.memref_squeeze %dma_wait3A_197 : memref<1x128xi32, #tpu.memory_space<vmem>> -> memref<128xi32, #tpu.memory_space<vmem>>
      %dma_wait3A_199 = arith.constant 0 : i32
      %dma_wait3A_200 = arith.constant 0 : i32
      %dma_wait3A_201 = tpu.memref_slice %arg5[%dma_wait3A_199, %dma_wait3A_200] : memref<4000x128xf32, #tpu.memory_space<vmem_shared>> -> memref<4000x128xf32, #tpu.memory_space<vmem_shared>>
      tpu.wait_indirect_dma semaphore(%arg17 : memref<!tpu.dma_semaphore, #tpu.memory_space<semaphore_mem>>) src(%dma_wait3A_201 : memref<4000x128xf32, #tpu.memory_space<vmem_shared>>) dst(%arg12 : memref<128x128xf32, #tpu.memory_space<vmem>>)
      %mul3A_202 = arith.constant 128 : i32
      %mul3A_203 = arith.muli %add3A_189, %mul3A_202 : i32
      %add3A_204 = arith.addi %mul3A_2, %mul3A_203 : i32
      %dma_start3A_205 = arith.constant 0 : i32
      %dma_start3A_206 = tpu.memref_slice %arg4[%add3A_204, %dma_start3A_205] : memref<163840x128xf32, #tpu.memory_space<hbm>> -> memref<128x128xf32, #tpu.memory_space<hbm>>
      %dma_start3A_207 = arith.constant 0 : i32
      %dma_start3A_208 = tpu.memref_slice %arg4[%add3A_204, %dma_start3A_207] : memref<163840x128xf32, #tpu.memory_space<hbm>> -> memref<128x128xf32, #tpu.memory_space<hbm>>
      tpu.enqueue_dma source(%arg12 : memref<128x128xf32, #tpu.memory_space<vmem>>) target(%dma_start3A_208 : memref<128x128xf32, #tpu.memory_space<hbm>>) target_semaphore(%arg22 : memref<!tpu.dma_semaphore, #tpu.memory_space<semaphore_mem>>)
      %lt3A_209 = arith.constant 37 : i32
      %lt3A_210 = arith.cmpi slt, %add3A_189, %lt3A_209 : i32
      %convert_element_type3A_211 = arith.extui %lt3A_210 : i1 to i32
      %cond3A_212 = arith.constant 0 : i32
      %cond3A_213 = arith.cmpi ne, %convert_element_type3A_211, %cond3A_212 : i32
      scf.if %cond3A_213 {
        %ge3A = arith.constant 2 : i32
        %ge3A_214 = arith.cmpi sge, %add3A_189, %ge3A : i32
        %convert_element_type3A_215 = arith.extui %ge3A_214 : i1 to i32
        %cond3A_216 = arith.constant 0 : i32
        %cond3A_217 = arith.cmpi ne, %convert_element_type3A_215, %cond3A_216 : i32
        scf.if %cond3A_217 {
          %dma_wait3A_226 = arith.constant 0 : i32
          %dma_wait3A_227 = tpu.memref_slice %arg4[%mul3A_2, %dma_wait3A_226] : memref<163840x128xf32, #tpu.memory_space<hbm>> -> memref<128x128xf32, #tpu.memory_space<hbm>>
          %dma_wait3A_228 = arith.constant 0 : i32
          %dma_wait3A_229 = tpu.memref_slice %arg4[%mul3A_2, %dma_wait3A_228] : memref<163840x128xf32, #tpu.memory_space<hbm>> -> memref<128x128xf32, #tpu.memory_space<hbm>>
          tpu.wait_dma2 semaphore(%arg20 : memref<!tpu.dma_semaphore, #tpu.memory_space<semaphore_mem>>) src(%arg10 : memref<128x128xf32, #tpu.memory_space<vmem>>) dst(%dma_wait3A_229 : memref<128x128xf32, #tpu.memory_space<hbm>>)
        } else {
        }
        %add3A_218 = arith.constant 3 : i32
        %add3A_219 = arith.addi %add3A_189, %add3A_218 : i32
        %dma_start3A_220 = arith.constant 0 : i32
        %dma_start3A_221 = tpu.memref_slice %arg7[%add3A_219, %dma_start3A_220] : memref<40x128xi32, #tpu.memory_space<vmem>> -> memref<1x128xi32, #tpu.memory_space<vmem>>
        %dma_start3A_222 = tpu.memref_squeeze %dma_start3A_221 : memref<1x128xi32, #tpu.memory_space<vmem>> -> memref<128xi32, #tpu.memory_space<vmem>>
        %dma_start3A_223 = arith.constant 0 : i32
        %dma_start3A_224 = arith.constant 0 : i32
        %dma_start3A_225 = tpu.memref_slice %arg5[%dma_start3A_223, %dma_start3A_224] : memref<4000x128xf32, #tpu.memory_space<vmem_shared>> -> memref<4000x128xf32, #tpu.memory_space<vmem_shared>>
        tpu.enqueue_indirect_dma source(%dma_start3A_225 : memref<4000x128xf32, #tpu.memory_space<vmem_shared>>) target(%arg10 : memref<128x128xf32, #tpu.memory_space<vmem>>) offsets(%dma_start3A_222 : memref<128xi32, #tpu.memory_space<vmem>>) semaphore(%arg15 : memref<!tpu.dma_semaphore, #tpu.memory_space<semaphore_mem>>)
      } else {
      }
    }
    %scan3A_54 = arith.constant 8 : i32
    %dma_wait3A = arith.constant 0 : i32
    %dma_wait3A_55 = tpu.memref_slice %arg4[%mul3A_2, %dma_wait3A] : memref<163840x128xf32, #tpu.memory_space<hbm>> -> memref<128x128xf32, #tpu.memory_space<hbm>>
    %dma_wait3A_56 = arith.constant 0 : i32
    %dma_wait3A_57 = tpu.memref_slice %arg4[%mul3A_2, %dma_wait3A_56] : memref<163840x128xf32, #tpu.memory_space<hbm>> -> memref<128x128xf32, #tpu.memory_space<hbm>>
    tpu.wait_dma2 semaphore(%arg18 : memref<!tpu.dma_semaphore, #tpu.memory_space<semaphore_mem>>) src(%arg8 : memref<128x128xf32, #tpu.memory_space<vmem>>) dst(%dma_wait3A_57 : memref<128x128xf32, #tpu.memory_space<hbm>>)
    %dma_wait3A_58 = arith.constant 0 : i32
    %dma_wait3A_59 = tpu.memref_slice %arg4[%mul3A_2, %dma_wait3A_58] : memref<163840x128xf32, #tpu.memory_space<hbm>> -> memref<128x128xf32, #tpu.memory_space<hbm>>
    %dma_wait3A_60 = arith.constant 0 : i32
    %dma_wait3A_61 = tpu.memref_slice %arg4[%mul3A_2, %dma_wait3A_60] : memref<163840x128xf32, #tpu.memory_space<hbm>> -> memref<128x128xf32, #tpu.memory_space<hbm>>
    tpu.wait_dma2 semaphore(%arg19 : memref<!tpu.dma_semaphore, #tpu.memory_space<semaphore_mem>>) src(%arg9 : memref<128x128xf32, #tpu.memory_space<vmem>>) dst(%dma_wait3A_61 : memref<128x128xf32, #tpu.memory_space<hbm>>)
    %dma_wait3A_62 = arith.constant 0 : i32
    %dma_wait3A_63 = tpu.memref_slice %arg4[%mul3A_2, %dma_wait3A_62] : memref<163840x128xf32, #tpu.memory_space<hbm>> -> memref<128x128xf32, #tpu.memory_space<hbm>>
    %dma_wait3A_64 = arith.constant 0 : i32
    %dma_wait3A_65 = tpu.memref_slice %arg4[%mul3A_2, %dma_wait3A_64] : memref<163840x128xf32, #tpu.memory_space<hbm>> -> memref<128x128xf32, #tpu.memory_space<hbm>>
    tpu.wait_dma2 semaphore(%arg20 : memref<!tpu.dma_semaphore, #tpu.memory_space<semaphore_mem>>) src(%arg10 : memref<128x128xf32, #tpu.memory_space<vmem>>) dst(%dma_wait3A_65 : memref<128x128xf32, #tpu.memory_space<hbm>>)
    %dma_wait3A_66 = arith.constant 0 : i32
    %dma_wait3A_67 = tpu.memref_slice %arg4[%mul3A_2, %dma_wait3A_66] : memref<163840x128xf32, #tpu.memory_space<hbm>> -> memref<128x128xf32, #tpu.memory_space<hbm>>
    %dma_wait3A_68 = arith.constant 0 : i32
    %dma_wait3A_69 = tpu.memref_slice %arg4[%mul3A_2, %dma_wait3A_68] : memref<163840x128xf32, #tpu.memory_space<hbm>> -> memref<128x128xf32, #tpu.memory_space<hbm>>
    tpu.wait_dma2 semaphore(%arg21 : memref<!tpu.dma_semaphore, #tpu.memory_space<semaphore_mem>>) src(%arg11 : memref<128x128xf32, #tpu.memory_space<vmem>>) dst(%dma_wait3A_69 : memref<128x128xf32, #tpu.memory_space<hbm>>)
    %dma_wait3A_70 = arith.constant 0 : i32
    %dma_wait3A_71 = tpu.memref_slice %arg4[%mul3A_2, %dma_wait3A_70] : memref<163840x128xf32, #tpu.memory_space<hbm>> -> memref<128x128xf32, #tpu.memory_space<hbm>>
    %dma_wait3A_72 = arith.constant 0 : i32
    %dma_wait3A_73 = tpu.memref_slice %arg4[%mul3A_2, %dma_wait3A_72] : memref<163840x128xf32, #tpu.memory_space<hbm>> -> memref<128x128xf32, #tpu.memory_space<hbm>>
    tpu.wait_dma2 semaphore(%arg22 : memref<!tpu.dma_semaphore, #tpu.memory_space<semaphore_mem>>) src(%arg12 : memref<128x128xf32, #tpu.memory_space<vmem>>) dst(%dma_wait3A_73 : memref<128x128xf32, #tpu.memory_space<hbm>>)
    return
  }
}

module attributes {stable_mosaic.version = 14 : i64} {
  func.func @_table_body(%arg0: memref<20x128xf32, #tpu.memory_space<vmem>>, %arg1: memref<64x128xf32, #tpu.memory_space<vmem>>, %arg2: memref<1x64xf32, #tpu.memory_space<vmem>>, %arg3: memref<10x128xf32, #tpu.memory_space<vmem>>, %arg4: memref<10x400x128xf32, #tpu.memory_space<vmem>>) attributes {dimension_semantics = [], scalar_prefetch = 0 : i64, scratch_operands = 0 : i64, tpu.core_type = #tpu.core_type<tc>} {
    %get3A = arith.constant 0 : index
    %get3A_0 = arith.constant 0 : index
    %get3A_1 = vector.load %arg0[%get3A, %get3A_0] : memref<20x128xf32, #tpu.memory_space<vmem>>, vector<20x128xf32>
    %get3A_2 = arith.constant 0 : index
    %get3A_3 = arith.constant 0 : index
    %get3A_4 = vector.load %arg1[%get3A_2, %get3A_3] : memref<64x128xf32, #tpu.memory_space<vmem>>, vector<64x128xf32>
    %dot_general3A = arith.constant dense<0.000000e+00> : vector<20x64xf32>
    %dot_general3A_5 = tpu.matmul %get3A_1, %get3A_4, %dot_general3A {dimension_numbers = #tpu.dot_dimension_numbers<[1], [1], [0], [0], [0, 0, 1, 0], [], []>, transpose_lhs_hint = false} : vector<20x128xf32>, vector<64x128xf32>, vector<20x64xf32> -> vector<20x64xf32>
    %broadcast_in_dim3A = arith.constant 0.000000e+00 : f32
    %broadcast_in_dim3A_6 = vector.broadcast %broadcast_in_dim3A : f32 to vector<20x64xf32>
    %concatenate3A = tpu.concatenate %dot_general3A_5, %broadcast_in_dim3A_6 in 1 : vector<20x64xf32>, vector<20x64xf32> -> vector<20x128xf32>
    %concatenate3A_7 = tpu.concatenate %broadcast_in_dim3A_6, %dot_general3A_5 in 1 : vector<20x64xf32>, vector<20x64xf32> -> vector<20x128xf32>
    %iota3A = tpu.iota {dimensions = array<i32: 0>} : vector<400x20xi32>
    %iota3A_8 = tpu.iota {dimensions = array<i32: 1>} : vector<400x20xi32>
    %jit3A = arith.constant 20 : i32
    %div3A = vector.broadcast %jit3A : i32 to vector<400x20xi32>
    %div3A_9 = arith.divsi %iota3A, %div3A : vector<400x20xi32>
    %sign3A = arith.constant 0 : i32
    %sign3A_10 = vector.broadcast %sign3A : i32 to vector<400x20xi32>
    %sign3A_11 = arith.cmpi sgt, %iota3A, %sign3A_10 : vector<400x20xi32>
    %sign3A_12 = arith.extui %sign3A_11 : vector<400x20xi1> to vector<400x20xi32>
    %sign3A_13 = arith.constant 0 : i32
    %sign3A_14 = vector.broadcast %sign3A_13 : i32 to vector<400x20xi32>
    %sign3A_15 = arith.cmpi slt, %iota3A, %sign3A_14 : vector<400x20xi32>
    %sign3A_16 = arith.extui %sign3A_15 : vector<400x20xi1> to vector<400x20xi32>
    %sign3A_17 = arith.subi %sign3A_12, %sign3A_16 : vector<400x20xi32>
    %sign3A_18 = arith.constant 0 : i32
    %sign3A_19 = arith.cmpi sgt, %jit3A, %sign3A_18 : i32
    %sign3A_20 = arith.extui %sign3A_19 : i1 to i32
    %sign3A_21 = arith.constant 0 : i32
    %sign3A_22 = arith.cmpi slt, %jit3A, %sign3A_21 : i32
    %sign3A_23 = arith.extui %sign3A_22 : i1 to i32
    %sign3A_24 = arith.subi %sign3A_20, %sign3A_23 : i32
    %ne3A = vector.broadcast %sign3A_24 : i32 to vector<400x20xi32>
    %ne3A_25 = arith.cmpi ne, %sign3A_17, %ne3A : vector<400x20xi32>
    %rem3A = vector.broadcast %jit3A : i32 to vector<400x20xi32>
    %rem3A_26 = arith.remsi %iota3A, %rem3A : vector<400x20xi32>
    %ne3A_27 = arith.constant 0 : i32
    %ne3A_28 = vector.broadcast %ne3A_27 : i32 to vector<400x20xi32>
    %ne3A_29 = arith.cmpi ne, %rem3A_26, %ne3A_28 : vector<400x20xi32>
    %and3A = arith.andi %ne3A_25, %ne3A_29 : vector<400x20xi1>
    %sub3A = arith.constant 1 : i32
    %sub3A_30 = vector.broadcast %sub3A : i32 to vector<400x20xi32>
    %sub3A_31 = arith.subi %div3A_9, %sub3A_30 : vector<400x20xi32>
    %select_n3A = arith.select %and3A, %sub3A_31, %div3A_9 : vector<400x20xi1>, vector<400x20xi32>
    %eq3A = arith.cmpi eq, %select_n3A, %iota3A_8 : vector<400x20xi32>
    %convert_element_type3A = arith.extui %eq3A : vector<400x20xi1> to vector<400x20xi32>
    %convert_element_type3A_32 = arith.sitofp %convert_element_type3A : vector<400x20xi32> to vector<400x20xf32>
    %dot_general3A_33 = arith.constant dense<0.000000e+00> : vector<400x128xf32>
    %dot_general3A_34 = tpu.matmul %convert_element_type3A_32, %concatenate3A, %dot_general3A_33 {dimension_numbers = #tpu.dot_dimension_numbers<[1], [0], [0], [1], [0, 0, 1, 1], [], []>, transpose_lhs_hint = false} : vector<400x20xf32>, vector<20x128xf32>, vector<400x128xf32> -> vector<400x128xf32>
    %concatenate3A_35 = tpu.concatenate %concatenate3A_7, %concatenate3A_7, %concatenate3A_7, %concatenate3A_7, %concatenate3A_7, %concatenate3A_7, %concatenate3A_7, %concatenate3A_7, %concatenate3A_7, %concatenate3A_7, %concatenate3A_7, %concatenate3A_7, %concatenate3A_7, %concatenate3A_7, %concatenate3A_7, %concatenate3A_7, %concatenate3A_7, %concatenate3A_7, %concatenate3A_7, %concatenate3A_7 in 0 : vector<20x128xf32>, vector<20x128xf32>, vector<20x128xf32>, vector<20x128xf32>, vector<20x128xf32>, vector<20x128xf32>, vector<20x128xf32>, vector<20x128xf32>, vector<20x128xf32>, vector<20x128xf32>, vector<20x128xf32>, vector<20x128xf32>, vector<20x128xf32>, vector<20x128xf32>, vector<20x128xf32>, vector<20x128xf32>, vector<20x128xf32>, vector<20x128xf32>, vector<20x128xf32>, vector<20x128xf32> -> vector<400x128xf32>
    %add3A = arith.addf %dot_general3A_34, %concatenate3A_35 : vector<400x128xf32>
    %get3A_36 = arith.constant 0 : index
    %get3A_37 = arith.constant 0 : index
    %get3A_38 = vector.load %arg3[%get3A_36, %get3A_37] : memref<10x128xf32, #tpu.memory_space<vmem>>, vector<10x128xf32>
    %get3A_39 = arith.constant 0 : index
    %get3A_40 = arith.constant 0 : index
    %get3A_41 = vector.load %arg2[%get3A_39, %get3A_40] : memref<1x64xf32, #tpu.memory_space<vmem>>, vector<1x64xf32>
    %get3A_42 = arith.constant 0 : index
    %get3A_43 = arith.constant 0 : index
    %get3A_44 = vector.load %arg2[%get3A_42, %get3A_43] : memref<1x64xf32, #tpu.memory_space<vmem>>, vector<1x64xf32>
    %concatenate3A_45 = tpu.concatenate %get3A_41, %get3A_44 in 1 : vector<1x64xf32>, vector<1x64xf32> -> vector<1x128xf32>
    %add3A_46 = vector.broadcast %concatenate3A_45 : vector<1x128xf32> to vector<10x128xf32>
    %add3A_47 = arith.addf %get3A_38, %add3A_46 : vector<10x128xf32>
    %broadcast_in_dim3A_48 = vector.shape_cast %add3A : vector<400x128xf32> to vector<1x400x128xf32>
    %broadcast_in_dim3A_49 = vector.shape_cast %add3A_47 : vector<10x128xf32> to vector<10x1x128xf32>
    %add3A_50 = vector.broadcast %broadcast_in_dim3A_48 : vector<1x400x128xf32> to vector<10x400x128xf32>
    %add3A_51 = vector.broadcast %broadcast_in_dim3A_49 : vector<10x1x128xf32> to vector<10x400x128xf32>
    %add3A_52 = arith.addf %add3A_50, %add3A_51 : vector<10x400x128xf32>
    %swap3A = arith.constant 0 : index
    %swap3A_53 = arith.constant 0 : index
    %swap3A_54 = arith.constant 0 : index
    %swap3A_55 = vector.load %arg4[%swap3A, %swap3A_53, %swap3A_54] : memref<10x400x128xf32, #tpu.memory_space<vmem>>, vector<10x400x128xf32>
    tpu.vector_store %arg4[%swap3A, %swap3A_53, %swap3A_54], %add3A_52 {strides = array<i32>} : memref<10x400x128xf32, #tpu.memory_space<vmem>>, vector<10x400x128xf32>,
    return
  }
}

</mosaic_0001>

<sc_bundles>
// kernel: kernel.4.cloned.1.call-start
scs
__scs_entry_jumppad:
0x0: {  	(pc) =	sbr.rel $0x88, $3  }
0x1: {  	(tag) =	ssettag $0x0;
	lr =	simm.s32 $0x1  }
0x2: {  	[smem:$0x3F9C] =	sst lr;
	_ =	strace $0xD0000000  }
0x3: {  	_ = 	snop  }
0x4: {  	_ = 	snop  }
0x5: {  	_ = 	snop  }
0x6: {  	_ = 	snop  }
0x7: {  	_ = 	snop  }
__scs_overlays_trampoline_lowered:
0x8: {  	[smem:$0x3FAB] =	sst s0  }
0x9: {  	[smem:$0x3FAC] =	sst s1  }
0xa: {  	[smem:$0x3FAD] =	sst s2  }
0xb: {  	[smem:$0x3FAE] =	sst s3  }
0xc: {  	[smem:$0x3FAF] =	sst s4  }
0xd: {  	[smem:$0x3FB0] =	sst s5  }
0xe: {  	[smem:$0x3FB1] =	sst s6  }
0xf: {  	[smem:$0x3FB2] =	sst s7  }
0x10: {  	[smem:$0x3FB3] =	sst s8  }
0x11: {  	[smem:$0x3FB4] =	sst s9;
	s0 =	simm.s32 @!p0 $0x0  }
0x12: {  	s1 =	sld [smem:$0x3F9A];
	s0 =	simm.s32 @p0 $0x1  }
0x13: {  	[smem:$0x3FB5] =	sst s0;
	s0 =	simm.s32 @!p1 $0x0  }
0x14: {  	s2 =	sld [smem:$0x3F99];
	s0 =	simm.s32 @p1 $0x1  }
0x15: {  	[smem:$0x3FB6] =	sst s0;
	s0 =	simm.s32 @!p2 $0x0  }
0x16: {  	s3 =	sld [smem:$0x3FDB];
	s0 =	simm.s32 @p2 $0x1  }
0x17: {  	s4 =	simm.s32 $0x1BF5;
	[smem:$0x3FB8] =	sst s0  }
0x18: {  	s0 =	sld [smem:$0x3F9B];
	_ =	swait.ge [sflag:s4], $0x0  }
0x19: {  	s7 =	sld [smem:$0x3F9C]  }
0x1a: {  	s8 =	sadd.s32 $0xFFFFE003, lr  }
0x1b: {  	s9 =	sadd.s32 $0xFFFFFEF7, lr;
	s5 =	simm.s32 $0xFFFFFFFF;
	p2 =	slt.u32 s8, $0xFFFFF086  }
0x1c: {  	p1 =	slt.u32 s9, $0xF7A;
	s5 =	simm.s32 @!p2 $0x0  }
0x1d: {  	s5 =	simm.s32 @p1 $0x1;
	p0 =	seq.s32 s7, s2  }
0x1e: {  	s7 =	smul.u32 @!p0 $0xF7A, s2;
	p2 =	seq.s32 @!p0 s5, $0x0  }
0x1f: {  	s9 =	smul.u32 $0xF7A, s1;
	s8 =	simm.s32 @!p0 $0x1BF5;
	p2 =	por !p2, p0  }
0x20: {  	[sflag:s8] =	ssyncset.s32 @!p0 $0xFFFFF086;
	s6 =	sadd.s32 @!p0 s3, s7;
	s7 =	simm.s32 @!p0 $0x108  }
0x21: {  	s3 =	sadd.s32 s3, s9;
	s6 =	sadd.s32 @!p0 $0x88, s6;
	s7 =	simm.s32 @p2 $0x1082  }
0x22: {  	[simem:s7], [sflag:s8] =	dma.local @!p0 [hbm:s6], $0xF7A  }
0x23: {  	s9 =	sor.u32 $0xD0000000, s2;
	s6 =	simm.s32 $0x108;
	_ =	swait.ge @!p0 [sflag:s8], $0x0  }
0x24: {  	s3 =	sadd.s32 $0x88, s3;
	s6 =	simm.s32 @!p1 $0x1082;
	[sflag:s4] =	ssyncset.s32 $0xFFFFF086  }
0x25: {  	[simem:s6], [sflag:s4] =	dma.local [hbm:s3], $0xF7A  }
0x26: {  	[smem:$0x3F9C] =	sst s1;
	(tag) =	ssettag s2;
	_ =	strace s9  }
0x27: {  	s1 =	sld [smem:$0x3FAC]  }
0x28: {  	s2 =	sld [smem:$0x3FAD]  }
0x29: {  	s4 =	sld [smem:$0x3FAF]  }
0x2a: {  	p0 =	seq.s32 s5, $0x0;
	s5 =	sld [smem:$0x3FB0]  }
0x2b: {  	s6 =	sld [smem:$0x3FB1]  }
0x2c: {  	s7 =	sld [smem:$0x3FB2]  }
0x2d: {  	s3 =	simm.s32 $0x108;
	s8 =	sld [smem:$0x3FB3]  }
0x2e: {  	s3 =	simm.s32 @!p0 $0x1082;
	s9 =	sld [smem:$0x3FB4]  }
0x2f: {  	lr =	sadd.s32 s0, s3;
	s0 =	sld [smem:$0x3FAB]  }
0x30: {  	s3 =	sld [smem:$0x3FAE]  }
0x31: {  	[smem:$0x3FB7] =	sst s10  }
0x32: {  	s10 =	sld [smem:$0x3FB5];
	_ =	sdelay $0x3  }
0x33: {  	p0 =	seq.s32 s10, $0x1;
	s10 =	sld [smem:$0x3FB7];
	_ =	sdelay $0x3  }
0x34: {  	[smem:$0x3FB7] =	sst s10  }
0x35: {  	s10 =	sld [smem:$0x3FB6];
	_ =	sdelay $0x3  }
0x36: {  	p1 =	seq.s32 s10, $0x1;
	s10 =	sld [smem:$0x3FB7];
	_ =	sdelay $0x3  }
0x37: {  	[smem:$0x3FB7] =	sst s10  }
0x38: {  	s10 =	sld [smem:$0x3FB8]  }
0x39: {  	_ = 	snop;
	(pc) =	sbr.ind lr, $3  }
0x3a: {  	_ = 	snop  }
0x3b: {  	_ = 	snop  }
0x3c: {  	p2 =	seq.s32 s10, $0x1;
	s10 =	sld [smem:$0x3FB7]  }
0x3d: {  	_ =	shalt  }
0x3e: {  	_ =	shalt  }
0x3f: {  	_ =	shalt  }
0x40: {  	_ =	shalt  }
0x41: {  	_ =	shalt  }
0x42: {  	_ =	shalt  }
0x43: {  	_ =	shalt  }
0x44: {  	_ =	shalt  }
0x45: {  	_ =	shalt  }
0x46: {  	_ =	shalt  }
0x47: {  	_ =	shalt  }
0x48: {  	_ =	shalt  }
0x49: {  	_ =	shalt  }
0x4a: {  	_ =	shalt  }
0x4b: {  	_ =	shalt  }
0x4c: {  	_ =	shalt  }
0x4d: {  	_ =	shalt  }
0x4e: {  	_ =	shalt  }
0x4f: {  	_ =	shalt  }
0x50: {  	_ =	shalt  }
0x51: {  	_ =	shalt  }
0x52: {  	_ =	shalt  }
0x53: {  	_ =	shalt  }
0x54: {  	_ =	shalt  }
0x55: {  	_ =	shalt  }
0x56: {  	_ =	shalt  }
0x57: {  	_ =	shalt  }
0x58: {  	_ =	shalt  }
0x59: {  	_ =	shalt  }
0x5a: {  	_ =	shalt  }
0x5b: {  	_ =	shalt  }
0x5c: {  	_ =	shalt  }
0x5d: {  	_ =	shalt  }
0x5e: {  	_ =	shalt  }
0x5f: {  	_ =	shalt  }
0x60: {  	_ =	shalt  }
0x61: {  	_ =	shalt  }
0x62: {  	_ =	shalt  }
0x63: {  	_ =	shalt  }
0x64: {  	_ =	shalt  }
0x65: {  	_ =	shalt  }
0x66: {  	_ =	shalt  }
0x67: {  	_ =	shalt  }
0x68: {  	_ =	shalt  }
0x69: {  	_ =	shalt  }
0x6a: {  	_ =	shalt  }
0x6b: {  	_ =	shalt  }
0x6c: {  	_ =	shalt  }
0x6d: {  	_ =	shalt  }
0x6e: {  	_ =	shalt  }
0x6f: {  	_ =	shalt  }
0x70: {  	_ =	shalt  }
0x71: {  	_ =	shalt  }
0x72: {  	_ =	shalt  }
0x73: {  	_ =	shalt  }
0x74: {  	_ =	shalt  }
0x75: {  	_ =	shalt  }
0x76: {  	_ =	shalt  }
0x77: {  	_ =	shalt  }
0x78: {  	_ =	shalt  }
0x79: {  	_ =	shalt  }
0x7a: {  	_ =	shalt  }
0x7b: {  	_ =	shalt  }
0x7c: {  	_ =	shalt  }
0x7d: {  	_ =	shalt  }
0x7e: {  	_ =	shalt  }
0x7f: {  	_ =	shalt  }
0x80: {  	_ =	shalt  }
0x81: {  	_ =	shalt  }
0x82: {  	_ =	shalt  }
0x83: {  	_ =	shalt  }
0x84: {  	_ =	shalt  }
0x85: {  	_ =	shalt  }
0x86: {  	_ =	shalt  }
0x87: {  	_ =	shalt  }
.Lfunc_end0:
.L_simem_size_0:
called_computation_lowered:
.L_overlay_start_0:
0x88: {  	s2 =	sld [smem:$0x3FD9]  }
0x89: {  	s3 =	sld [smem:$0x3FFE];
	_ =	sdelay $0x1  }
0x8a: {  	s1 =	srdreg.scid  }
0x8b: {  	s0 =	sand.u32 $0x1, s1  }
0x8c: {  	s17 =	sshll.u32 s0, $0xA;
	s2 =	sadd.s32 s3, s2  }
0x8d: {  	s2 =	sadd.s32 s2, s17  }
0x8e: {  	[smem:$0x3FC3] =	sst s2  }
0x8f: {  	_ = 	snop  }
0x90: {  	s2 =	sld [smem:$0x3FC9]  }
0x91: {  	s18 =	sld [smem:$0x3FD0];
	(tm) =	ssettm $0x1  }
0x92: {  	s4 =	sld [smem:$0x3FFB];
	_ =	sdelay $0x3  }
0x93: {  	_ =	strace s4  }
0x94: {  	s4 =	sld [smem:$0x3FFC];
	_ =	sdelay $0x3  }
0x95: {  	_ =	strace s4  }
0x96: {  	s4 =	sld [smem:$0x3FFD];
	_ =	sdelay $0x3  }
0x97: {  	_ =	strace s4  }
0x98: {  	_ =	strace $0x8FFFFFFF  }
0x99: {  	s19 =	sld [smem:$0x3FDB];
	_ =	sdelay $0x1  }
0x9a: {  	s5 =	simm.s32 $_scs_section_size  }
0x9b: {  	s6 =	simm.s32 $_size__tile_overlayer_lowered;
	s7 =	simm.s32 $_tile_overlayer_lowered  }
0x9c: {  	s22 =	simm.s32 $0x1BFF;
	s21 =	sshll.u32 s7, $0x1;
	s4 =	sadd.s32 s5, s19  }
0x9d: {  	s8 =	simm.s32 $0x0;
	s20 =	sshll.u32 s6, $0x1;
	s6 =	sadd.s32 s21, s4  }
0x9e: {  	[timem:s8], [sflag:s22] =	dma.local [hbm:s6], s20  }
0x9f: {  	_ =	swait.ge [sflag:s22], s20  }
0xa0: {  	s5 =	ssub.s32 $0x0, s20;
	[sflag:s22] =	ssyncset.done $0x0  }
0xa1: {  	[sflag:s22] =	ssyncadd.s32 s5;
	_ =	sdelay $0x1  }
0xa2: {  	s23 =	simm.s32 $0x1B8B  }
0xa3: {  	_ =	swait.ge [sflag:s23], $0x1  }
0xa4: {  	[sflag:s23] =	ssyncset.done $0x0  }
0xa5: {  	s25 =	simm.s32 $0x1B8E;
	s24 =	sld [smem:$0x3FFE];
	[sflag:s23] =	ssyncadd.s32 $0xFFFFFFFF  }
0xa6: {  	s26 =	simm.s32 $execute0_lowered;
	[smem:$0x3FD2] =	sst s25  }
0xa7: {  	s6 =	sshll.u32 s26, $0x1;
	_ =	strace $0x80000046;
	[dreg:$0x1] =	wrdreg $0xFFFFFFFF  }
0xa8: {  	s28 =	simm.s32 $_size_execute0_lowered;
	s4 =	sadd.s32 s4, s6;
	[dreg:$0x0] =	wrdreg $0x0  }
0xa9: {  	s6 =	sshll.u32 s28, $0x1;
	[dreg:$0x2] =	wrdreg s4  }
0xaa: {  	[dreg:$0x3] =	wrdreg s6  }
0xab: {  	[dreg:$0x4] =	wrdreg $0xC0  }
0xac: {  	_ =	task [dreg:s8], $0x5FFFF  }
0xad: {  	[dreg:$0x1] =	wrdreg $0xFFFFFFFF  }
0xae: {  	[dreg:$0x0] =	wrdreg $0x60  }
0xaf: {  	[dreg:$0x2] =	wrdreg s24  }
0xb0: {  	[dreg:$0x3] =	wrdreg s2  }
0xb1: {  	[dreg:$0x4] =	wrdreg s18  }
0xb2: {  	[dreg:$0x5] =	wrdreg $0x0  }
0xb3: {  	[dreg:$0x6] =	wrdreg $0x9  }
0xb4: {  	_ =	task.clear_ibuf [dreg:s8], $0x7FFFF;
	_ =	strace $0x90000046  }
0xb5: {  	s29 =	simm.s32 $0x9;
	_ =	strace $0x80000048  }
0xb6: {  	_ =	swait.ge [sflag:s29], $0x1  }
0xb7: {  	[sflag:s29] =	ssyncadd.s32 $0xFFFFFFFF  }
0xb8: {  	_ =	strace $0x90000048  }
0xb9: {  	_ =	sfence  }
0xba: {  	s30 =	sld [smem:$0x0];
	_ =	sdelay $0x2  }
0xbb: {  	s31 =	sshll.u32 s1, $0xD;
	s1 =	sshrl.u32 s1, $0x2  }
0xbc: {  	s3 =	sand.u32 $0x4000, s31;
	s1 =	sadd.s32 s1, s30  }
0xbd: {  	s0 =	sor.u32 s3, s0;
	s1 =	sshll.u32 s1, $0x11  }
0xbe: {  	s0 =	sor.u32 s1, s0  }
0xbf: {  	s0 =	sadd.s32 $0x8F2B, s0  }
0xc0: {  	[sflag:s0] =	ssyncadd.remote.s32 $0x1  }
0xc1: {  	_ =	sfence.sel $0xFFFF  }
0xc2: {  	[dreg:$0x0] =	wrdreg $0xFFFFFFFF;
	(pc) =	sbr.abs _section_cstart, $3  }
0xc3: {  	[dreg:$0x1] =	wrdreg $0xFFFFFFFF  }
0xc4: {  	_ =	task.clear_ibuf [dreg:s8], $0x2FFFF;
	_ =	strace $0x9FFFFFFF  }
0xc5: {  	(tm) =	ssettm $0x7FFFFFFF  }
tec
execute0_lowered:
.L_overlay_start_1:
0x0: {  	(tag) =	ssettag $0x1  }
0x1: {  	s0 =	rddreg [dreg:$0x0]  }
0x2: {  	s4 =	rddreg [dreg:$0x1]  }
0x3: {  	s2 =	srdreg.scid;
	s5 =	stileid.u32  }
0x4: {  	s1 =	rddreg [dreg:$0x2];
	s31 =	simm.s32 $0x13900;
	s28 =	simm.s32 $0x1  }
0x5: {  	s30 =	simm.s32 $0x2;
	s18 =	simm.s32 $0x4;
	s6 =	sand.u32 $0x1, s2  }
0x6: {  	s3 =	sshll.u32 s5, $0x1;
	s2 =	rddreg [dreg:$0x3];
	s20 =	smul.u32 $0x2800, s5  }
0x7: {  	s7 =	sor.u32 s6, s3;
	s8 =	ssub.s32 $0x2, s6;
	s6 =	smul.u32 $0x1400, s6  }
0x8: {  	s0 =	sadd.s32 $0xE00, s0;
	s3 =	simm.s32 $0x0;
	s11 =	smul.u32 $0x1400, s7  }
0x9: {  	p0 =	sne.s32 s5, $0x0;
	[smem:$0x7FF] =	sst s3;
	s9 =	smul.u32 $0x500, s7  }
0xa: {  	s10 =	sshrl.u32 s8, $0x1;
	s7 =	smul.u32 $0xA0000, s7;
	_ =	strace $0x80000047  }
0xb: {  	[dreg:$0x5] =	wrdreg s0;
	s19 =	ssub.s32 s8, s10;
	s6 =	sadd.s32 s6, s20  }
0xc: {  	s20 =	simm.s32 $0x80;
	s4 =	sadd.s32 s4, s9;
	[dreg:$0x7] =	wrdreg s11  }
0xd: {  	s21 =	sshrl.u32 s11, $0xE;
	s0 =	smax.u32 s19, $0x1;
	[dreg:$0x6] =	wrdreg s4  }
0xe: {  	s9 =	sor.u32 $0x4000, s7;
	s22 =	sor.u32 $0x180, s6;
	[dreg:$0x8] =	wrdreg s0  }
0xf: {  	s10 =	sor.u32 $0x8000, s7;
	s23 =	sor.u32 $0x200, s6;
	[dreg:$0x9] =	wrdreg s22  }
0x10: {  	s29 =	sor.u32 $0xC000, s7;
	s24 =	sor.u32 $0x280, s6;
	[dreg:$0xa] =	wrdreg s23  }
.Ltmp0:
0x11: {  	s25 =	sor.u32 $0x300, s6;
	[dreg:$0xb] =	wrdreg s24;
	(pc) =	sbr.rel .LBB2_1-.Ltmp0, $4  }
0x12: {  	s11 =	sor.u32 $0x10000, s7;
	s26 =	sor.u32 $0x380, s6;
	[dreg:$0xc] =	wrdreg s25  }
0x13: {  	s6 =	simm.s32 $0x0;
	s4 =	smul.u32 $0x190, s21;
	[dreg:$0xd] =	wrdreg s26  }
0x14: {  	s0 =	sshrl.u32 @!p0 s2, $0x3;
	s24 =	simm.s32 $0x17900;
	s26 =	simm.s32 $0x1B900  }
0x15: {  	s21 =	simm.s32 $0x5;
	[dreg:$0xe] =	wrdreg s0;
	s0 =	simm.s32 $0x3;
	v0 =	vmov s4  }
.LBB2_20:
0x16: {  	s4 =	simm.s32 $0x6  }
0x17: {  	_ =	swait.ge [sflag:s4], $0x4000  }
0x18: {  	[sflag:s4] =	ssyncset.done $0x0  }
0x19: {  	s19 =	simm.s32 $0x7;
	[sflag:s4] =	ssyncadd.s32 $0xFFFFC000  }
0x1a: {  	_ =	swait.ge [sflag:s19], $0x4000  }
0x1b: {  	[sflag:s19] =	ssyncset.done $0x0  }
0x1c: {  	s22 =	simm.s32 $0x8;
	[sflag:s19] =	ssyncadd.s32 $0xFFFFC000  }
0x1d: {  	_ =	swait.ge [sflag:s22], $0x4000  }
0x1e: {  	[sflag:s22] =	ssyncset.done $0x0  }
0x1f: {  	s23 =	simm.s32 $0x9;
	[sflag:s22] =	ssyncadd.s32 $0xFFFFC000  }
0x20: {  	_ =	swait.ge [sflag:s23], $0x4000  }
0x21: {  	[sflag:s23] =	ssyncset.done $0x0  }
0x22: {  	s5 =	simm.s32 $0xA;
	[sflag:s23] =	ssyncadd.s32 $0xFFFFC000  }
0x23: {  	_ =	swait.ge [sflag:s5], $0x4000  }
0x24: {  	s6 =	rddreg [dreg:$0xf]  }
0x25: {  	s25 =	rddreg [dreg:$0x8];
	s6 =	sadd.s32 $0x1, s6  }
0x26: {  	p1 =	sne.s32 s6, s25  }
.Ltmp1:
0x27: {  	_ = 	snop;
	(pc) =	sbr.rel @!p1 .LBB2_21-.Ltmp1, $3  }
0x28: {  	_ =	sdelay $0x1  }
0x29: {  	[sflag:s5] =	ssyncset.done $0x0  }
0x2a: {  	[sflag:s5] =	ssyncadd.s32 $0xFFFFC000  }
.LBB2_1:
0x2b: {  	[dreg:$0xf] =	wrdreg s6  }
0x2c: {  	s5 =	rddreg [dreg:$0x5]  }
0x2d: {  	s4 =	simm.s32 @!p0 $0x1C0B;
	s6 =	rddreg [dreg:$0xe]  }
0x2e: {  	[spmem:s6], [sflag:s4] =	dma.local @!p0 [hbm:s5], $0xFA00  }
0x2f: {  	s15 =	simm.s32 $0x7D00;
	s16 =	simm.s32 $0xC;
	s4 =	rddreg [dreg:$0x6]  }
0x30: {  	[tilespmem:s15], [sflag:$0xC] =	stream.linear.gather [hbm4b:s4+s3], $0x2800, $0x38;
	[tilespmem:$0x1F900] =	vst v63  }
0x31: {  	_ =	swait.ge [sflag:s16], $0x2800  }
0x32: {  	[sflag:s16] =	ssyncset.done $0x0  }
0x33: {  	[sflag:s16] =	ssyncadd.s32 $0xFFFFD800  }
0x34: {  	v1 =	vld [tilespmem:$0x7D00]  }
0x35: {  	v2 =	vld [tilespmem:$0x7D80]  }
0x36: {  	v3 =	vld [tilespmem:$0x7D10]  }
0x37: {  	v4 =	vld [tilespmem:$0x7D90]  }
0x38: {  	v5 =	vld [tilespmem:$0x7D20]  }
0x39: {  	v6 =	vld [tilespmem:$0x7DA0]  }
0x3a: {  	v7 =	vld [tilespmem:$0x7D30]  }
0x3b: {  	v8 =	vld [tilespmem:$0x7DB0]  }
0x3c: {  	v9 =	vld [tilespmem:$0x7D40]  }
0x3d: {  	v10 =	vld [tilespmem:$0x7DC0]  }
0x3e: {  	v11 =	vld [tilespmem:$0x7D50]  }
0x3f: {  	v12 =	vld [tilespmem:$0x7DD0]  }
0x40: {  	v13 =	vld [tilespmem:$0x7D60]  }
0x41: {  	v14 =	vld [tilespmem:$0x7DE0]  }
0x42: {  	v15 =	vld [tilespmem:$0x7D70]  }
0x43: {  	v16 =	vld [tilespmem:$0x7DF0]  }
0x44: {  	v17 =	vld [tilespmem:$0x7E00]  }
0x45: {  	v18 =	vld [tilespmem:$0x7E80]  }
0x46: {  	v19 =	vld [tilespmem:$0x7E10];
	v1 =	vmul.u32 $0x14, v1  }
0x47: {  	v20 =	vld [tilespmem:$0x7E90];
	v3 =	vmul.u32 $0x14, v3  }
0x48: {  	v21 =	vld [tilespmem:$0x7E20];
	v5 =	vmul.u32 $0x14, v5;
	v1 =	vadd.s32 v0, v1  }
0x49: {  	v32 =	vld [tilespmem:$0x7EA0];
	v1 =	vadd.s32 v2, v1;
	v2 =	vadd.s32 v0, v3;
	v3 =	vmul.u32 $0x14, v7  }
0x4a: {  	v34 =	vld [tilespmem:$0x7E30];
	v33 =	vmul.u32 $0x14, v9;
	[tilespmem:$0xA500] =	vst v1;
	v1 =	vadd.s32 v4, v2;
	v2 =	vadd.s32 v0, v5  }
0x4b: {  	v35 =	vld [tilespmem:$0x7EB0];
	[tilespmem:$0xA510] =	vst v1;
	v1 =	vadd.s32 v6, v2;
	v2 =	vadd.s32 v0, v3;
	v3 =	vmul.u32 $0x14, v11  }
0x4c: {  	v37 =	vld [tilespmem:$0x7E40];
	v36 =	vmul.u32 $0x14, v13;
	[tilespmem:$0xA520] =	vst v1;
	v1 =	vadd.s32 v8, v2;
	v2 =	vadd.s32 v0, v33  }
0x4d: {  	v38 =	vld [tilespmem:$0x7EC0];
	[tilespmem:$0xA530] =	vst v1;
	v1 =	vadd.s32 v10, v2;
	v2 =	vadd.s32 v0, v3;
	v3 =	vmul.u32 $0x14, v15  }
0x4e: {  	v40 =	vld [tilespmem:$0x7E50];
	v39 =	vmul.u32 $0x14, v17;
	[tilespmem:$0xA540] =	vst v1;
	v1 =	vadd.s32 v12, v2;
	v2 =	vadd.s32 v0, v36  }
0x4f: {  	v41 =	vld [tilespmem:$0x7E60];
	[tilespmem:$0xA550] =	vst v1;
	v1 =	vadd.s32 v14, v2;
	v2 =	vadd.s32 v0, v3;
	v3 =	vmul.u32 $0x14, v19  }
0x50: {  	v43 =	vld [tilespmem:$0x7E70];
	v42 =	vmul.u32 $0x14, v21;
	[tilespmem:$0xA560] =	vst v1;
	v1 =	vadd.s32 v16, v2;
	v2 =	vadd.s32 v0, v39  }
0x51: {  	v44 =	vld [tilespmem:$0x7ED0];
	[tilespmem:$0xA570] =	vst v1;
	v1 =	vadd.s32 v18, v2;
	v2 =	vadd.s32 v0, v3;
	v3 =	vmul.u32 $0x14, v34  }
0x52: {  	v46 =	vld [tilespmem:$0x7EE0];
	v45 =	vmul.u32 $0x14, v37;
	[tilespmem:$0xA580] =	vst v1;
	v1 =	vadd.s32 v20, v2;
	v2 =	vadd.s32 v0, v42  }
0x53: {  	v47 =	vld [tilespmem:$0x7EF0];
	[tilespmem:$0xA590] =	vst v1;
	v1 =	vadd.s32 v32, v2;
	v2 =	vadd.s32 v0, v3;
	v3 =	vmul.u32 $0x14, v40  }
0x54: {  	v48 =	vmul.u32 $0x14, v41;
	[tilespmem:$0xA5A0] =	vst v1;
	v1 =	vadd.s32 v35, v2;
	v2 =	vadd.s32 v0, v45  }
0x55: {  	[tilespmem:$0xA5B0] =	vst v1;
	v1 =	vadd.s32 v38, v2;
	v2 =	vadd.s32 v0, v3;
	v3 =	vmul.u32 $0x14, v43  }
0x56: {  	[tilespmem:$0xA5C0] =	vst v1;
	v1 =	vadd.s32 v44, v2;
	v2 =	vadd.s32 v0, v48  }
0x57: {  	[tilespmem:$0xA5D0] =	vst v1;
	v1 =	vadd.s32 v46, v2;
	v2 =	vadd.s32 v0, v3  }
0x58: {  	[tilespmem:$0xA5E0] =	vst v1;
	v1 =	vadd.s32 v47, v2  }
0x59: {  	s4 =	simm.s32 @!p0 $0xB;
	[tilespmem:$0xA5F0] =	vst v1  }
0x5a: {  	_ =	swait.ge @!p0 [sflag:s4], $0xFA00  }
0x5b: {  	[sflag:s4] =	ssyncset.done @!p0 $0x0  }
0x5c: {  	[sflag:s4] =	ssyncadd.s32 @!p0 $0xFFFF0600  }
0x5d: {  	[bflag:$0x0] =	sbarrier.arrive $0xFFFF  }
0x5e: {  	v1 =	vld [tilespmem:$0x7F00]  }
0x5f: {  	v2 =	vld [tilespmem:$0x7F80]  }
0x60: {  	v3 =	vld [tilespmem:$0x7F10]  }
0x61: {  	v49 =	vld [tilespmem:$0x7F90]  }
0x62: {  	v50 =	vld [tilespmem:$0x7F20]  }
0x63: {  	v51 =	vld [tilespmem:$0x7FA0]  }
0x64: {  	v52 =	vld [tilespmem:$0x7F30]  }
0x65: {  	v53 =	vld [tilespmem:$0x7FB0]  }
0x66: {  	v54 =	vld [tilespmem:$0x7F40]  }
0x67: {  	v55 =	vld [tilespmem:$0x7FC0]  }
0x68: {  	v56 =	vld [tilespmem:$0x7F50];
	v1 =	vmul.u32 $0x14, v1  }
0x69: {  	v57 =	vld [tilespmem:$0x7F60];
	v3 =	vmul.u32 $0x14, v3  }
0x6a: {  	v58 =	vld [tilespmem:$0x7F70];
	v5 =	vmul.u32 $0x14, v50;
	v1 =	vadd.s32 v0, v1  }
0x6b: {  	v59 =	vld [tilespmem:$0x7FD0];
	v1 =	vadd.s32 v2, v1;
	v2 =	vadd.s32 v0, v3;
	v3 =	vmul.u32 $0x14, v52  }
0x6c: {  	v61 =	vld [tilespmem:$0x7FE0];
	v60 =	vmul.u32 $0x14, v54;
	[tilespmem:$0xA600] =	vst v1;
	v1 =	vadd.s32 v49, v2;
	v2 =	vadd.s32 v0, v5  }
0x6d: {  	v62 =	vld [tilespmem:$0x7FF0];
	[tilespmem:$0xA610] =	vst v1;
	v1 =	vadd.s32 v51, v2;
	v2 =	vadd.s32 v0, v3;
	v3 =	vmul.u32 $0x14, v56  }
0x6e: {  	v63 =	vmul.u32 $0x14, v57;
	[tilespmem:$0xA620] =	vst v1;
	v1 =	vadd.s32 v53, v2;
	v2 =	vadd.s32 v0, v60  }
0x6f: {  	[tilespmem:$0xA630] =	vst v1;
	v1 =	vadd.s32 v55, v2;
	v2 =	vadd.s32 v0, v3;
	v3 =	vmul.u32 $0x14, v58  }
0x70: {  	[tilespmem:$0xA640] =	vst v1;
	v1 =	vadd.s32 v59, v2;
	v2 =	vadd.s32 v0, v63  }
0x71: {  	[tilespmem:$0xA650] =	vst v1;
	v1 =	vadd.s32 v61, v2;
	v2 =	vadd.s32 v0, v3  }
0x72: {  	s17 =	simm.s32 $0xA500;
	s16 =	rddreg [dreg:$0xd];
	[tilespmem:$0xA660] =	vst v1;
	v1 =	vadd.s32 v62, v2  }
0x73: {  	s19 =	simm.s32 $0xB900;
	s22 =	simm.s32 $0xA580;
	s14 =	rddreg [dreg:$0xb];
	[tilespmem:$0xA670] =	vst v1  }
0x74: {  	[tilespmem:s19], [sflag:$0x1] =	stream.indirect.gather [spmem:s2], $0x80, s17, s20, $0xb8;
	[tilespmem:$0x1F900] =	vst v63  }
.Ltmp2:
0x75: {  	s23 =	simm.s32 $0xF900;
	s13 =	rddreg [dreg:$0xa];
	(pc) =	sbr.rel .LBB2_2-.Ltmp2, $4  }
0x76: {  	[tilespmem:s23], [sflag:$0x2] =	stream.indirect.gather [spmem:s2], $0x80, s22, s20, $0xb8;
	[tilespmem:$0x1F900] =	vst v63  }
0x77: {  	s25 =	simm.s32 $0xA600;
	s12 =	rddreg [dreg:$0x9]  }
0x78: {  	[tilespmem:s31], [sflag:$0x3] =	stream.indirect.gather [spmem:s2], $0x80, s25, s20, $0xb8;
	[tilespmem:$0x1F900] =	vst v63  }
0x79: {  	s19 =	simm.s32 $0x0;
	s25 =	rddreg [dreg:$0xc]  }
.LBB2_18:
0x7a: {  	_ =	swait.ge [sflag:s18], $0x4000  }
0x7b: {  	s4 =	sadd.s32 s1, s26;
	[sflag:s18] =	ssyncset.done $0x0  }
0x7c: {  	s24 =	simm.s32 $0x17900;
	s26 =	simm.s32 $0x1B900;
	[sflag:s18] =	ssyncadd.s32 $0xFFFFC000  }
0x7d: {  	[hbm4b:s4+s3] =	stream.linear.scatter [tilespmem:s24], [sflag:$0x9], $0x4000, $0x38;
	[tilespmem:$0x1F900] =	vst v63  }
.LBB2_19:
0x7e: {  	_ =	swait.ge [sflag:s21], $0x4000;
	s4 =	sadd.s32 s11, s17  }
0x7f: {  	[sflag:s21] =	ssyncset.done $0x0;
	s4 =	sshrl.u32 s4, $0x3  }
0x80: {  	[sflag:s21] =	ssyncadd.s32 $0xFFFFC000;
	s4 =	sadd.s32 s1, s4  }
0x81: {  	[hbm4b:s4+s3] =	stream.linear.scatter [tilespmem:s26], [sflag:$0xA], $0x4000, $0x38;
	[tilespmem:$0x1F900] =	vst v63  }
0x82: {  	s4 =	simm.s32 @!p1 $0x8  }
0x83: {  	_ =	swait.ge @!p1 [sflag:s4], $0x4000  }
0x84: {  	s6 =	simm.s32 @!p1 $0x13900;
	s19 =	sadd.s32 $0x1, s19;
	[sflag:s4] =	ssyncset.done @!p1 $0x0  }
0x85: {  	[sflag:s4] =	ssyncadd.s32 @!p1 $0xFFFFC000;
	s4 =	sadd.s32 @!p1 $0xA880, s5;
	s5 =	simm.s32 @!p1 $0x80  }
0x86: {  	[tilespmem:s6], [sflag:$0x3] =	stream.indirect.gather @!p1 [spmem:s2], $0x80, s4, s5, $0xb8;
	[tilespmem:$0x1F900] =	vst v63  }
0x87: {  	p1 =	sne.s32 s19, $0x8  }
.Ltmp3:
0x88: {  	_ = 	snop;
	(pc) =	sbr.rel @!p1 .LBB2_20-.Ltmp3, $3  }
0x89: {  	_ =	sdelay $0x1  }
0x8a: {  	s12 =	sadd.s32 $0x280, s12;
	s13 =	sadd.s32 $0x280, s13  }
0x8b: {  	s14 =	sadd.s32 $0x280, s14;
	s25 =	sadd.s32 $0x280, s25;
	s16 =	sadd.s32 $0x280, s16  }
.LBB2_2:
0x8c: {  	s6 =	smul.u32 $0x28, s19;
	_ =	sdelay $0x1  }
0x8d: {  	s4 =	sadd.s32 $0x18, s6  }
0x8e: {  	s5 =	sshll.u32 s4, $0x5  }
0x8f: {  	s5 =	sand.u32 $0x3FFFFF00, s5  }
0x90: {  	s7 =	sadd.s32 $0x7D00, s5  }
0x91: {  	v1 =	vld [tilespmem:s7+$0x0];
	_ =	sdelay $0x4  }
0x92: {  	v2 =	vmul.u32 $0x14, v1;
	v1 =	vld [tilespmem:s7+$0x80]  }
0x93: {  	s8 =	sshrl.u32 s12, $0xE  }
0x94: {  	s22 =	simm.s32 $0x7D10;
	s8 =	smul.u32 $0x190, s8;
	s17 =	sadd.s32 $0x1, s4  }
0x95: {  	s15 =	simm.s32 $0x2;
	s23 =	sshll.u32 s4, $0x4;
	s4 =	sshll.u32 s17, $0x5  }
0x96: {  	s5 =	simm.s32 $0xA500;
	s7 =	sand.u32 $0x3FFFFF80, s23;
	s23 =	smov.u32 s12;
	v2 =	vadd.s32 s8, v2  }
.LBB2_3:
0x97: {  	p1 =	sne.s32 s15, $0x7;
	s4 =	sand.u32 $0x3FFFFF00, s4;
	s7 =	sadd.s32 s7, s5;
	v1 =	vadd.s32 v1, v2  }
0x98: {  	s4 =	sadd.s32 s4, s22;
	[tilespmem:s7+$0x0] =	vst v1;
	s7 =	smov.u32 s17  }
0x99: {  	v2 =	vld [tilespmem:s4+$0x0];
	_ =	sdelay $0x2  }
.Ltmp4:
0x9a: {  	s23 =	sadd.s32 $0x10, s23;
	v1 =	vld [tilespmem:s4+$0x80];
	(pc) =	sbr.rel @p1 .LBB2_3-.Ltmp4, $4  }
0x9b: {  	s4 =	sshrl.u32 s23, $0xE  }
0x9c: {  	s17 =	sadd.s32 $0x1, s17;
	s8 =	smul.u32 $0x190, s4;
	v2 =	vmul.u32 $0x14, v2  }
0x9d: {  	s5 =	sadd.s32 $0x10, s5;
	s22 =	sadd.s32 $0x10, s22;
	s7 =	sshll.u32 s7, $0x4  }
0x9e: {  	s15 =	sadd.s32 $0x1, s15;
	s7 =	sand.u32 $0x3FFFFF80, s7;
	s4 =	sshll.u32 s17, $0x5;
	v2 =	vadd.s32 s8, v2  }
0x9f: {  	s4 =	sand.u32 $0x3FFFFF00, s4;
	s7 =	sadd.s32 s7, s5;
	v1 =	vadd.s32 v1, v2  }
0xa0: {  	s4 =	sadd.s32 s4, s22;
	[tilespmem:s7+$0x0] =	vst v1  }
0xa1: {  	v1 =	vld [tilespmem:s4+$0x0];
	_ =	sdelay $0x2  }
0xa2: {  	s7 =	sadd.s32 $0x10, s23;
	v2 =	vld [tilespmem:s4+$0x80]  }
0xa3: {  	s4 =	sshrl.u32 s7, $0xE  }
0xa4: {  	s4 =	smul.u32 $0x190, s4;
	v1 =	vmul.u32 $0x14, v1  }
0xa5: {  	s8 =	sshll.u32 s17, $0x4  }
0xa6: {  	s15 =	sadd.s32 $0x10, s5;
	s7 =	sand.u32 $0x3FFFFF80, s8;
	v1 =	vadd.s32 s4, v1  }
0xa7: {  	s17 =	sadd.s32 s7, s15;
	v1 =	vadd.s32 v2, v1  }
0xa8: {  	[tilespmem:s17+$0x0] =	vst v1  }
0xa9: {  	s22 =	smul.u32 $0x280, s19;
	_ =	swait.ge [sflag:s28], $0x4000  }
0xaa: {  	s23 =	rddreg [dreg:$0x7]  }
0xab: {  	s4 =	sadd.s32 s23, s22  }
0xac: {  	p1 =	seq.s32 s19, $0x0;
	[sflag:s28] =	ssyncset.done $0x0;
	s4 =	sshll.u32 s4, $0x4  }
0xad: {  	s7 =	simm.s32 $0xB900;
	[sflag:s28] =	ssyncadd.s32 $0xFFFFC000;
	s4 =	sadd.s32 s1, s4  }
0xae: {  	[hbm4b:s4+s3] =	stream.linear.scatter [tilespmem:s7], [sflag:$0x6], $0x4000, $0x38;
	[tilespmem:$0x1F900] =	vst v63  }
0xaf: {  	s8 =	smul.u32 $0xA00, s19;
	s4 =	simm.s32 @!p1 $0x9  }
0xb0: {  	_ =	swait.ge @!p1 [sflag:s4], $0x4000  }
0xb1: {  	s5 =	sshra.s32 s8, $0x2;
	[sflag:s4] =	ssyncset.done @!p1 $0x0  }
0xb2: {  	s15 =	sadd.s32 $0x20, s6;
	s23 =	sadd.s32 $0xA680, s5;
	[sflag:s4] =	ssyncadd.s32 @!p1 $0xFFFFC000  }
0xb3: {  	[tilespmem:s24], [sflag:$0x4] =	stream.indirect.gather [spmem:s2], $0x80, s23, s20, $0xb8;
	[tilespmem:$0x1F900] =	vst v63  }
0xb4: {  	s24 =	sshll.u32 s15, $0x5  }
0xb5: {  	s4 =	sand.u32 $0x3FFFFF00, s24  }
0xb6: {  	s4 =	sadd.s32 $0x7D00, s4  }
0xb7: {  	v1 =	vld [tilespmem:s4+$0x0];
	_ =	sdelay $0x4  }
0xb8: {  	v2 =	vmul.u32 $0x14, v1;
	v1 =	vld [tilespmem:s4+$0x80]  }
0xb9: {  	s8 =	sshrl.u32 s13, $0xE  }
0xba: {  	s8 =	smul.u32 $0x190, s8;
	s17 =	simm.s32 $0xA500;
	s7 =	sshll.u32 s15, $0x4  }
0xbb: {  	s22 =	sadd.s32 $0x1, s15;
	s7 =	sand.u32 $0x3FFFFF80, s7;
	s15 =	simm.s32 $0x2  }
0xbc: {  	s23 =	smov.u32 s13;
	s24 =	simm.s32 $0x7D10;
	s4 =	sshll.u32 s22, $0x5;
	v2 =	vadd.s32 s8, v2  }
.LBB2_5:
0xbd: {  	p1 =	sne.s32 s15, $0x7;
	s4 =	sand.u32 $0x3FFFFF00, s4;
	s7 =	sadd.s32 s7, s17;
	v1 =	vadd.s32 v1, v2  }
0xbe: {  	s4 =	sadd.s32 s4, s24;
	[tilespmem:s7+$0x0] =	vst v1;
	s7 =	smov.u32 s22  }
0xbf: {  	v2 =	vld [tilespmem:s4+$0x0];
	_ =	sdelay $0x2  }
.Ltmp5:
0xc0: {  	s23 =	sadd.s32 $0x10, s23;
	v1 =	vld [tilespmem:s4+$0x80];
	(pc) =	sbr.rel @p1 .LBB2_5-.Ltmp5, $4  }
0xc1: {  	s4 =	sshrl.u32 s23, $0xE  }
0xc2: {  	s22 =	sadd.s32 $0x1, s22;
	s8 =	smul.u32 $0x190, s4;
	v2 =	vmul.u32 $0x14, v2  }
0xc3: {  	s17 =	sadd.s32 $0x10, s17;
	s24 =	sadd.s32 $0x10, s24;
	s7 =	sshll.u32 s7, $0x4  }
0xc4: {  	s15 =	sadd.s32 $0x1, s15;
	s7 =	sand.u32 $0x3FFFFF80, s7;
	s4 =	sshll.u32 s22, $0x5;
	v2 =	vadd.s32 s8, v2  }
0xc5: {  	s4 =	sand.u32 $0x3FFFFF00, s4;
	s7 =	sadd.s32 s7, s17;
	v1 =	vadd.s32 v1, v2  }
0xc6: {  	s4 =	sadd.s32 s4, s24;
	[tilespmem:s7+$0x0] =	vst v1  }
0xc7: {  	v1 =	vld [tilespmem:s4+$0x0];
	_ =	sdelay $0x2  }
0xc8: {  	s8 =	sadd.s32 $0x10, s23;
	v2 =	vld [tilespmem:s4+$0x80]  }
0xc9: {  	s4 =	sshrl.u32 s8, $0xE  }
0xca: {  	s4 =	smul.u32 $0x190, s4;
	v1 =	vmul.u32 $0x14, v1  }
0xcb: {  	s15 =	sshll.u32 s22, $0x4  }
0xcc: {  	s7 =	sand.u32 $0x3FFFFF80, s15;
	s8 =	sadd.s32 $0x10, s17;
	v1 =	vadd.s32 s4, v1  }
0xcd: {  	s17 =	smul.u32 $0x14000, s19;
	s22 =	sadd.s32 s7, s8;
	v1 =	vadd.s32 v2, v1  }
0xce: {  	p1 =	sne.s32 s19, $0x0;
	[tilespmem:s22+$0x0] =	vst v1  }
.Ltmp6:
0xcf: {  	s23 =	sadd.s32 s9, s17;
	_ =	swait.ge [sflag:s30], $0x4000;
	(pc) =	sbr.rel @!p1 .LBB2_7-.Ltmp6, $4  }
0xd0: {  	s4 =	sshrl.u32 s23, $0x3;
	[sflag:s30] =	ssyncset.done $0x0  }
0xd1: {  	s24 =	simm.s32 $0xF900;
	s4 =	sadd.s32 s1, s4;
	[sflag:s30] =	ssyncadd.s32 $0xFFFFC000  }
0xd2: {  	[hbm4b:s4+s3] =	stream.linear.scatter [tilespmem:s24], [sflag:$0x7], $0x4000, $0x38;
	[tilespmem:$0x1F900] =	vst v63  }
0xd3: {  	s4 =	sadd.s32 $0xA700, s5  }
0xd4: {  	p2 =	seq.s32 s19, $0x7  }
.Ltmp7:
0xd5: {  	s7 =	simm.s32 $0xA;
	(pc) =	sbr.rel @p2 .LBB2_12-.Ltmp7, $4  }
.Ltmp8:
0xd6: {  	_ =	swait.ge [sflag:s7], $0x4000;
	(pc) =	sbr.rel @!p2 .LBB2_9-.Ltmp8, $4  }
0xd7: {  	[sflag:s7] =	ssyncset.done $0x0  }
0xd8: {  	p1 =	por $0x1, $0x1;
	[sflag:s7] =	ssyncadd.s32 $0xFFFFC000  }
0xd9: {  	[tilespmem:s26], [sflag:$0x5] =	stream.indirect.gather [spmem:s2], $0x80, s4, s20, $0xb8;
	[tilespmem:$0x1F900] =	vst v63  }
0xda: {  	_ = 	snop  }
.LBB2_7:
0xdb: {  	[tilespmem:s26], [sflag:$0x5] =	stream.indirect.gather [spmem:s2], $0x80, s4, s20, $0xb8;
	[tilespmem:$0x1F900] =	vst v63  }
.LBB2_9:
0xdc: {  	s4 =	sadd.s32 $0x28, s6  }
0xdd: {  	s7 =	sshll.u32 s4, $0x5  }
0xde: {  	s7 =	sand.u32 $0x3FFFFF00, s7  }
0xdf: {  	s7 =	sadd.s32 $0x7D00, s7  }
0xe0: {  	v1 =	vld [tilespmem:s7+$0x0];
	_ =	sdelay $0x4  }
0xe1: {  	v2 =	vmul.u32 $0x14, v1;
	v1 =	vld [tilespmem:s7+$0x80]  }
0xe2: {  	s8 =	sshrl.u32 s14, $0xE  }
0xe3: {  	s22 =	simm.s32 $0xA500;
	s23 =	simm.s32 $0x7D10;
	s15 =	smul.u32 $0x190, s8  }
0xe4: {  	s24 =	sadd.s32 $0x1, s4;
	s26 =	sshll.u32 s4, $0x4;
	s4 =	simm.s32 $0x2  }
0xe5: {  	s8 =	sand.u32 $0x3FFFFF80, s26;
	s7 =	sshll.u32 s24, $0x5;
	v2 =	vadd.s32 s15, v2;
	s15 =	smov.u32 s14  }
.LBB2_10:
0xe6: {  	p1 =	sne.s32 s4, $0x7;
	s7 =	sand.u32 $0x3FFFFF00, s7;
	s8 =	sadd.s32 s8, s22;
	v1 =	vadd.s32 v1, v2  }
0xe7: {  	s7 =	sadd.s32 s7, s23;
	[tilespmem:s8+$0x0] =	vst v1;
	s8 =	smov.u32 s24  }
0xe8: {  	v2 =	vld [tilespmem:s7+$0x0];
	_ =	sdelay $0x2  }
.Ltmp9:
0xe9: {  	s15 =	sadd.s32 $0x10, s15;
	v1 =	vld [tilespmem:s7+$0x80];
	(pc) =	sbr.rel @p1 .LBB2_10-.Ltmp9, $4  }
0xea: {  	s7 =	sshrl.u32 s15, $0xE  }
0xeb: {  	s24 =	sadd.s32 $0x1, s24;
	s26 =	smul.u32 $0x190, s7;
	v2 =	vmul.u32 $0x14, v2  }
0xec: {  	s22 =	sadd.s32 $0x10, s22;
	s23 =	sadd.s32 $0x10, s23;
	s8 =	sshll.u32 s8, $0x4  }
0xed: {  	s4 =	sadd.s32 $0x1, s4;
	s8 =	sand.u32 $0x3FFFFF80, s8;
	s7 =	sshll.u32 s24, $0x5;
	v2 =	vadd.s32 s26, v2  }
0xee: {  	s4 =	sand.u32 $0x3FFFFF00, s7;
	s8 =	sadd.s32 s8, s22;
	v1 =	vadd.s32 v1, v2  }
0xef: {  	s4 =	sadd.s32 s4, s23;
	[tilespmem:s8+$0x0] =	vst v1  }
0xf0: {  	v1 =	vld [tilespmem:s4+$0x0];
	_ =	sdelay $0x2  }
0xf1: {  	s15 =	sadd.s32 $0x10, s15;
	v2 =	vld [tilespmem:s4+$0x80]  }
0xf2: {  	s4 =	sshrl.u32 s15, $0xE  }
0xf3: {  	s4 =	smul.u32 $0x190, s4;
	v1 =	vmul.u32 $0x14, v1  }
0xf4: {  	s23 =	sshll.u32 s24, $0x4  }
0xf5: {  	s24 =	sadd.s32 $0x10, s22;
	s7 =	sand.u32 $0x3FFFFF80, s23;
	v1 =	vadd.s32 s4, v1  }
0xf6: {  	s26 =	sadd.s32 s7, s24;
	v1 =	vadd.s32 v2, v1  }
0xf7: {  	p1 =	por $0x0, $0x0;
	[tilespmem:s26+$0x0] =	vst v1  }
.LBB2_12:
.Ltmp10:
0xf8: {  	(pc) =	sbr.rel @p1 .LBB2_18-.Ltmp10, $4  }
0xf9: {  	_ =	swait.ge [sflag:s0], $0x4000;
	s4 =	sadd.s32 s10, s17  }
0xfa: {  	s26 =	sadd.s32 s29, s17;
	[sflag:s0] =	ssyncset.done $0x0;
	s4 =	sshrl.u32 s4, $0x3  }
0xfb: {  	s26 =	sshrl.u32 s26, $0x3;
	[sflag:s0] =	ssyncadd.s32 $0xFFFFC000;
	s4 =	sadd.s32 s1, s4  }
0xfc: {  	[hbm4b:s4+s3] =	stream.linear.scatter [tilespmem:s31], [sflag:$0x8], $0x4000, $0x38;
	[tilespmem:$0x1F900] =	vst v63  }
0xfd: {  	s4 =	simm.s32 $0x6  }
0xfe: {  	_ =	swait.ge [sflag:s4], $0x4000  }
0xff: {  	s22 =	sadd.s32 $0xA780, s5;
	s23 =	sadd.s32 $0x30, s6;
	[sflag:s4] =	ssyncset.done $0x0  }
0x100: {  	s7 =	simm.s32 $0xB900;
	s8 =	sshll.u32 s23, $0x5;
	[sflag:s4] =	ssyncadd.s32 $0xFFFFC000  }
0x101: {  	[tilespmem:s7], [sflag:$0x1] =	stream.indirect.gather [spmem:s2], $0x80, s22, s20, $0xb8;
	[tilespmem:$0x1F900] =	vst v63  }
0x102: {  	s7 =	sand.u32 $0x3FFFFF00, s8  }
0x103: {  	s7 =	sadd.s32 $0x7D00, s7  }
0x104: {  	v1 =	vld [tilespmem:s7+$0x0];
	_ =	sdelay $0x4  }
0x105: {  	s31 =	smov.u32 s11;
	s11 =	smov.u32 s29;
	v2 =	vmul.u32 $0x14, v1;
	v1 =	vld [tilespmem:s7+$0x80]  }
0x106: {  	s29 =	smov.u32 s10;
	s10 =	smov.u32 s9;
	s8 =	sshrl.u32 s25, $0xE  }
0x107: {  	s24 =	sadd.s32 $0x1, s23;
	s9 =	sshll.u32 s23, $0x4;
	s15 =	smul.u32 $0x190, s8  }
0x108: {  	s23 =	simm.s32 $0x7D10;
	s4 =	simm.s32 $0x2;
	s22 =	simm.s32 $0xA500  }
0x109: {  	s8 =	sand.u32 $0x3FFFFF80, s9;
	s7 =	sshll.u32 s24, $0x5;
	v2 =	vadd.s32 s15, v2;
	s15 =	smov.u32 s25  }
.LBB2_14:
0x10a: {  	p2 =	sne.s32 s4, $0x7;
	s7 =	sand.u32 $0x3FFFFF00, s7;
	s8 =	sadd.s32 s8, s22;
	v1 =	vadd.s32 v1, v2  }
0x10b: {  	s7 =	sadd.s32 s7, s23;
	[tilespmem:s8+$0x0] =	vst v1;
	s8 =	smov.u32 s24  }
0x10c: {  	v2 =	vld [tilespmem:s7+$0x0];
	_ =	sdelay $0x2  }
.Ltmp11:
0x10d: {  	s15 =	sadd.s32 $0x10, s15;
	v1 =	vld [tilespmem:s7+$0x80];
	(pc) =	sbr.rel @p2 .LBB2_14-.Ltmp11, $4  }
0x10e: {  	s7 =	sshrl.u32 s15, $0xE  }
0x10f: {  	s24 =	sadd.s32 $0x1, s24;
	s9 =	smul.u32 $0x190, s7;
	v2 =	vmul.u32 $0x14, v2  }
0x110: {  	s22 =	sadd.s32 $0x10, s22;
	s23 =	sadd.s32 $0x10, s23;
	s8 =	sshll.u32 s8, $0x4  }
0x111: {  	s4 =	sadd.s32 $0x1, s4;
	s8 =	sand.u32 $0x3FFFFF80, s8;
	s7 =	sshll.u32 s24, $0x5;
	v2 =	vadd.s32 s9, v2  }
0x112: {  	s4 =	sand.u32 $0x3FFFFF00, s7;
	s9 =	sadd.s32 s8, s22;
	v1 =	vadd.s32 v1, v2  }
0x113: {  	s4 =	sadd.s32 s4, s23;
	[tilespmem:s9+$0x0] =	vst v1  }
0x114: {  	v1 =	vld [tilespmem:s4+$0x0];
	_ =	sdelay $0x2  }
0x115: {  	s15 =	sadd.s32 $0x10, s15;
	v2 =	vld [tilespmem:s4+$0x80]  }
0x116: {  	s4 =	sshrl.u32 s15, $0xE  }
0x117: {  	s4 =	smul.u32 $0x190, s4;
	v1 =	vmul.u32 $0x14, v1  }
0x118: {  	s23 =	sshll.u32 s24, $0x4  }
0x119: {  	s24 =	sadd.s32 $0x10, s22;
	s7 =	sand.u32 $0x3FFFFF80, s23;
	v1 =	vadd.s32 s4, v1  }
0x11a: {  	s8 =	sadd.s32 s7, s24;
	v1 =	vadd.s32 v2, v1  }
0x11b: {  	[tilespmem:s8+$0x0] =	vst v1  }
0x11c: {  	s9 =	sadd.s32 s1, s26;
	_ =	swait.ge [sflag:s18], $0x4000  }
0x11d: {  	s22 =	simm.s32 $0x7;
	s15 =	simm.s32 $0x0;
	[sflag:s18] =	ssyncset.done $0x0  }
0x11e: {  	s24 =	simm.s32 $0x17900;
	s7 =	sadd.s32 $0x38, s6;
	[sflag:s18] =	ssyncadd.s32 $0xFFFFC000  }
0x11f: {  	[hbm4b:s9+s15] =	stream.linear.scatter [tilespmem:s24], [sflag:$0x9], $0x4000, $0x38;
	[tilespmem:$0x1F900] =	vst v63  }
0x120: {  	s6 =	sshll.u32 s7, $0x5;
	_ =	swait.ge [sflag:s22], $0x4000  }
0x121: {  	s26 =	simm.s32 $0xF900;
	s6 =	sand.u32 $0x3FFFFF00, s6;
	[sflag:s22] =	ssyncset.done $0x0  }
0x122: {  	s23 =	sadd.s32 $0xA800, s5;
	s15 =	sadd.s32 $0x7D00, s6;
	[sflag:s22] =	ssyncadd.s32 $0xFFFFC000  }
0x123: {  	[tilespmem:s26], [sflag:$0x2] =	stream.indirect.gather [spmem:s2], $0x80, s23, s20, $0xb8;
	[tilespmem:$0x1F900] =	vst v63  }
0x124: {  	v1 =	vld [tilespmem:s15+$0x0];
	_ =	sdelay $0x4  }
0x125: {  	v2 =	vmul.u32 $0x14, v1;
	v1 =	vld [tilespmem:s15+$0x80]  }
0x126: {  	s23 =	sshrl.u32 s16, $0xE  }
0x127: {  	s4 =	simm.s32 $0x2;
	s22 =	sadd.s32 $0x1, s7;
	s9 =	smul.u32 $0x190, s23  }
0x128: {  	s6 =	simm.s32 $0xA500;
	s26 =	sshll.u32 s7, $0x4;
	s7 =	sshll.u32 s22, $0x5  }
0x129: {  	s23 =	simm.s32 $0x7D10;
	s8 =	sand.u32 $0x3FFFFF80, s26;
	s15 =	smov.u32 s16;
	v2 =	vadd.s32 s9, v2  }
.LBB2_16:
0x12a: {  	p2 =	seq.s32 s4, $0x7;
	s7 =	sand.u32 $0x3FFFFF00, s7;
	s8 =	sadd.s32 s8, s6;
	v1 =	vadd.s32 v1, v2  }
0x12b: {  	s7 =	sadd.s32 s7, s23;
	[tilespmem:s8+$0x0] =	vst v1;
	s8 =	smov.u32 s22  }
0x12c: {  	v2 =	vld [tilespmem:s7+$0x0];
	_ =	sdelay $0x2  }
.Ltmp12:
0x12d: {  	s15 =	sadd.s32 $0x10, s15;
	v1 =	vld [tilespmem:s7+$0x80];
	(pc) =	sbr.rel @!p2 .LBB2_16-.Ltmp12, $4  }
0x12e: {  	s7 =	sshrl.u32 s15, $0xE  }
0x12f: {  	s22 =	sadd.s32 $0x1, s22;
	s9 =	smul.u32 $0x190, s7;
	v2 =	vmul.u32 $0x14, v2  }
0x130: {  	s6 =	sadd.s32 $0x10, s6;
	s23 =	sadd.s32 $0x10, s23;
	s8 =	sshll.u32 s8, $0x4  }
0x131: {  	s4 =	sadd.s32 $0x1, s4;
	s8 =	sand.u32 $0x3FFFFF80, s8;
	s7 =	sshll.u32 s22, $0x5;
	v2 =	vadd.s32 s9, v2  }
0x132: {  	s4 =	sand.u32 $0x3FFFFF00, s7;
	s9 =	sadd.s32 s8, s6;
	v1 =	vadd.s32 v1, v2  }
0x133: {  	s4 =	sadd.s32 s4, s23;
	[tilespmem:s9+$0x0] =	vst v1  }
0x134: {  	v1 =	vld [tilespmem:s4+$0x0];
	_ =	sdelay $0x1  }
0x135: {  	s15 =	sadd.s32 $0x10, s15  }
0x136: {  	v2 =	vld [tilespmem:s4+$0x80];
	s4 =	sshrl.u32 s15, $0xE  }
0x137: {  	s4 =	smul.u32 $0x190, s4  }
.Ltmp13:
0x138: {  	v1 =	vmul.u32 $0x14, v1;
	(pc) =	sbr.rel .LBB2_19-.Ltmp13, $4  }
0x139: {  	s22 =	sshll.u32 s22, $0x4  }
0x13a: {  	s23 =	sadd.s32 $0x10, s6;
	s7 =	sand.u32 $0x3FFFFF80, s22;
	s9 =	smov.u32 s10;
	v1 =	vadd.s32 s4, v1  }
0x13b: {  	s10 =	smov.u32 s29;
	s29 =	smov.u32 s11;
	s26 =	sadd.s32 s7, s23;
	v1 =	vadd.s32 v2, v1  }
0x13c: {  	s11 =	smov.u32 s31;
	s31 =	simm.s32 $0x13900;
	[tilespmem:s26+$0x0] =	vst v1;
	s26 =	simm.s32 $0x1B900  }
.LBB2_21:
0x13d: {  	_ =	sfence.sel $0x180000  }
0x13e: {  	[bflag:$0x0] =	sbarrier.arrive $0xFFFF  }
0x13f: {  	_ =	strace $0x90000047  }
0x140: {  	[bflag:$0x2] =	sbarrier.arrive $0xFFFF  }
0x141: {  	s0 =	rddreg [dreg:$0x4]  }
0x142: {  	s0 =	sadd.s32 @!p0 $0x100000, s0  }
0x143: {  	[sflag:s0] =	ssyncadd.tile.s32 @!p0 $0x1;
	_ =	shalt  }
.Lfunc_end2:
_tile_overlayer_lowered:
.L_overlay_start_2:
0x144: {  	(tag) =	ssettag $0x2  }
0x145: {  	s0 =	rddreg [dreg:$0x0];
	s2 =	stileid.u32  }
0x146: {  	s1 =	rddreg [dreg:$0x1];
	p0 =	sne.s32 s2, $0x0  }
0x147: {  	s3 =	rddreg [dreg:$0x2];
	[bflag:$0x3] =	sbarrier.arrive $0xFFFF;
	s2 =	simm.s32 @!p0 $0x1C0C  }
0x148: {  	[timem:s3], [sflag:s2] =	dma.local @!p0 [hbm:s0], s1  }
0x149: {  	s0 =	simm.s32 @!p0 $0xC  }
0x14a: {  	_ =	swait.ge @!p0 [sflag:s0], s1  }
0x14b: {  	s1 =	ssub.s32 @!p0 $0x0, s1;
	[sflag:s0] =	ssyncset.done @!p0 $0x0  }
0x14c: {  	[sflag:s0] =	ssyncadd.s32 @!p0 s1  }
0x14d: {  	[bflag:$0x3] =	sbarrier.arrive $0xFFFF  }
0x14e: {  	_ =	shalt  }

</sc_bundles>
